<compile_context>
chip_gen: v7x
topology: tpu7x:2x2x1
jax: 0.10.2.dev20260603
libtpu: 0.0.44.dev20260713+nightly
codegen_flags: <defaults>
</compile_context>

<pallas_src>
import jax
import jax.numpy as jnp
from jax.experimental import pallas as pl
from jax.experimental.pallas import tpu as pltpu
from jax.experimental.pallas import tpu_sc as plsc

_B = 4096
_D = 32
_K = 1024
_BT = 2048
_G = _B // _BT
_NCAND = 3

_GATHER_W = 128


def _exact_tree_dist(dsq):
    total = None
    for g in range(4):
        s = [dsq[8 * g + t:8 * g + t + 1, :] for t in range(8)]
        tg = ((s[0] + s[4]) + (s[2] + s[6])) + ((s[1] + s[5]) + (s[3] + s[7]))
        total = tg if total is None else total + tg
    return total


def _tc_body(xt_ref, c_ref, ct_ref, idx_ref, loss_ref):
    i = pl.program_id(0)
    xt = xt_ref[...]
    c = c_ref[...]
    ct = ct_ref[...]

    dn_k = (((1,), (0,)), ((), ()))
    c_h = c.astype(jnp.bfloat16)
    c_l = (c - c_h.astype(jnp.float32)).astype(jnp.bfloat16)
    x_h = xt.astype(jnp.bfloat16)
    x_l = (xt - x_h.astype(jnp.float32)).astype(jnp.bfloat16)
    xc = (jax.lax.dot_general(c_h, x_h, dn_k,
                              preferred_element_type=jnp.float32)
          + jax.lax.dot_general(c_h, x_l, dn_k,
                                preferred_element_type=jnp.float32)
          + jax.lax.dot_general(c_l, x_h, dn_k,
                                preferred_element_type=jnp.float32))
    cc = jnp.sum(c * c, axis=1, keepdims=True)
    q = cc - (xc + xc)

    ct_hi = ct.astype(jnp.bfloat16)
    r1 = ct - ct_hi.astype(jnp.float32)
    ct_mid = r1.astype(jnp.bfloat16)
    ct_lo = (r1 - ct_mid.astype(jnp.float32)).astype(jnp.bfloat16)

    ksub = jax.lax.broadcasted_iota(jnp.int32, (_K, _BT), 0)

    cand_idx = []
    cand_oh = []
    qmin = None
    qm = q
    for j in range(_NCAND):
        m = jnp.min(qm, axis=0, keepdims=True)
        idx = jnp.min(jnp.where(qm == m, ksub, _K), axis=0, keepdims=True)
        eq = ksub == idx
        cand_idx.append(idx)
        cand_oh.append(eq.astype(jnp.bfloat16))
        if j == 0:
            qmin = m
        if j < _NCAND - 1:
            qm = jnp.where(eq, jnp.inf, qm)

    best_d = None
    best_i = None
    for j in range(_NCAND):
        idx = cand_idx[j]
        oh = cand_oh[j]
        dn = (((1,), (0,)), ((), ()))
        parts = [
            jax.lax.dot_general(t, oh, dn,
                                preferred_element_type=jnp.float32)
            for t in (ct_hi, ct_mid, ct_lo)
        ]
        cj = (parts[0] + parts[1]) + parts[2]
        dsq = xt - cj
        dsq = dsq * dsq
        dj = _exact_tree_dist(dsq)
        if best_d is None:
            best_d, best_i = dj, idx
        else:
            take = (dj < best_d) | ((dj == best_d) & (idx < best_i))
            best_d = jnp.where(take, dj, best_d)
            best_i = jnp.where(take, idx, best_i)
    idx_ref[...] = best_i

    e = jnp.exp(qmin - q)
    denom = jnp.sum(e, axis=0, keepdims=True)
    num = jnp.sum(e * q, axis=0, keepdims=True)
    xx = jnp.sum(xt * xt, axis=0, keepdims=True)
    part = jnp.sum(num / denom + xx)

    @pl.when(i == 0)
    def _():
        loss_ref[...] = jnp.zeros((1, 1), jnp.float32)

    loss_ref[...] += part.reshape(1, 1)


def _tc_assign(x, cluster_rep):
    xt = x.T
    ct = cluster_rep.T
    idx2, losssum = pl.pallas_call(
        _tc_body,
        grid=(_G,),
        in_specs=[
            pl.BlockSpec((_D, _BT), lambda i: (0, i)),
            pl.BlockSpec((_K, _D), lambda i: (0, 0)),
            pl.BlockSpec((_D, _K), lambda i: (0, 0)),
        ],
        out_specs=[
            pl.BlockSpec((1, _BT), lambda i: (0, i)),
            pl.BlockSpec((1, 1), lambda i: (0, 0)),
        ],
        out_shape=[
            jax.ShapeDtypeStruct((1, _B), jnp.int32),
            jax.ShapeDtypeStruct((1, 1), jnp.float32),
        ],
    )(xt, cluster_rep, ct)
    return idx2.reshape(_B), losssum.reshape(())


def _sc_gather(cluster_rep, min_index):
    vector_mesh = plsc.VectorSubcoreMesh(
        core_axis_name="core", subcore_axis_name="subcore"
    )
    tab = jnp.pad(cluster_rep, ((0, 0), (0, 128 - _D)))
    idx2 = min_index.reshape(1, _B)

    @pl.kernel(
        out_type=jax.ShapeDtypeStruct((_B, 128), cluster_rep.dtype),
        mesh=vector_mesh,
    )
    def gather_kernel(tab_hbm, i_hbm, o_hbm):
        def body(i_vmem, o_vmem):
            pltpu.sync_copy(tab_hbm.at[i_vmem.at[0]], o_vmem)

        pltpu.emit_pipeline(
            body,
            grid=(_B // _GATHER_W,),
            in_specs=[pl.BlockSpec((1, _GATHER_W), index_map=lambda i: (0, i))],
            out_specs=[pl.BlockSpec((_GATHER_W, 128), index_map=lambda i: (i, 0))],
            core_axis_name=("core", "subcore"),
            dimension_semantics=(pltpu.PARALLEL,),
        )(i_hbm, o_hbm)

    return gather_kernel(tab, idx2)[:, :_D]


def kernel(x, cluster_rep):
    min_index, losssum = _tc_assign(x, cluster_rep)
    centroids = _sc_gather(cluster_rep, min_index)
    loss = losssum / jnp.float32(_K)
    return centroids, min_index, loss

# --- scband reference (transcript-rebuilt; emitter-appended) ---
"""Pipeline reference for scband-dkm-comp-graph-64080912056405 (READ-ONLY COPY).

The authoritative reference and input builder live on the scoring server;
editing this copy changes nothing except your own understanding.
"""

import jax, jax.numpy as jnp
import numpy as np

BATCH = 4096
EMBED = 32
N_CLUSTERS = 1024
ALPHA = 1.0
VAL_LAMBDA = 1.0

def setup_inputs(seed: int = 0) -> dict:
    key = jax.random.key(seed)
    k1, k2 = jax.random.split(key)
    x = jax.random.normal(k1, (BATCH, EMBED), dtype=jnp.float32)
    # cluster_rep is a learned parameter (torch inits zeros; randomized here for non-degenerate numerics)
    cluster_rep = jax.random.normal(k2, (N_CLUSTERS, EMBED), dtype=jnp.float32) * 0.1
    return {"x": x, "cluster_rep": cluster_rep}

def reference(x, cluster_rep):
    # mode != 'with_vae': embedding = input, ae_loss = 0
    embedding = x
    # pairwise squared distances via broadcasting (materializes [B, K, D])
    diff = embedding[:, None, :] - cluster_rep[None, :, :]
    distance = jnp.sum(jnp.square(diff), axis=2)  # [B, K]
    stack_dist = distance.T  # [K, B]
    min_dist = jnp.min(stack_dist, axis=0)  # [B]
    min_index = jnp.argmin(stack_dist, axis=0)  # [B]
    centroids = jnp.take(cluster_rep, min_index, axis=0)  # gather [B, D]
    min_dist_expand = min_dist[None, :]
    stack_exp_batch = jnp.exp(-1.0 * ALPHA * (stack_dist - min_dist_expand))
    sum_exponentials = jnp.sum(stack_exp_batch, axis=0)
    softmax_batch = stack_exp_batch / sum_exponentials[None, :]
    stack_weighted_dist = softmax_batch * stack_dist
    sum_stack_weighted_dist = jnp.sum(stack_weighted_dist, axis=1)  # [K]
    kmeans_loss = jnp.mean(sum_stack_weighted_dist)
    loss = 0.0 + VAL_LAMBDA * kmeans_loss
    return centroids, min_index, loss

if __name__ == "__main__":
    import jax
    _d = setup_inputs()
    print(jax.jit(kernel)(*tuple(_d.values())))

</pallas_src>

<mosaic_0001>
#map = affine_map<(d0, d1) -> (0, 0)>
module attributes {stable_mosaic.version = 14 : i64} {
  func.func @gather_kernel(%arg0: i32, %arg1: i32, %arg2: memref<1024x128xf32, #tpu.memory_space<hbm>>, %arg3: memref<1x4096xi32, #tpu.memory_space<hbm>>, %arg4: memref<4096x128xf32, #tpu.memory_space<hbm>>) attributes {dimension_semantics = [#tpu.dimension_semantics<core_parallel>, #tpu.dimension_semantics<subcore_parallel>], iteration_bounds = array<i64: 2, 16>, scalar_prefetch = 0 : i64, scratch_operands = 0 : i64, tpu.core_type = #tpu.core_type<sc_vector_subcore>, window_params = [{transform_indices = #map}, {transform_indices = #map}, {transform_indices = #map}]} {
    %mul3A = arith.constant 1 : i32
    %mul3A_0 = arith.muli %arg1, %mul3A : i32
    %add3A = arith.constant 0 : i32
    %add3A_1 = arith.addi %add3A, %mul3A_0 : i32
    %mul3A_2 = arith.constant 16 : i32
    %mul3A_3 = arith.muli %arg0, %mul3A_2 : i32
    %add3A_4 = arith.addi %add3A_1, %mul3A_3 : i32
    %mul3A_5 = arith.constant 1 : i32
    %mul3A_6 = arith.muli %add3A_4, %mul3A_5 : i32
    "tpu.region"() ({
      %run_scoped3A = memref.alloca() : memref<2x1x128xi32, #tpu.memory_space<vmem>>
      %run_scoped3A_7 = tpu.sem_alloc : memref<2x!tpu.dma_semaphore, #tpu.memory_space<semaphore_mem>>
      %run_scoped3A_8 = memref.alloca() : memref<2x128x128xf32, #tpu.memory_space<vmem>>
      %run_scoped3A_9 = tpu.sem_alloc : memref<2x!tpu.dma_semaphore, #tpu.memory_space<semaphore_mem>>
      %add3A_10 = arith.constant 0 : i32
      %add3A_11 = arith.addi %add3A_10, %mul3A_6 : i32
      %select_n3A = arith.constant true
      %select_n3A_12 = arith.constant 0 : i32
      %select_n3A_13 = arith.constant -1 : i32
      %select_n3A_14 = arith.select %select_n3A, %select_n3A_13, %select_n3A_12 : i32
      %eq3A = arith.constant -1 : i32
      %eq3A_15 = arith.cmpi eq, %select_n3A_14, %eq3A : i32
      %select_n3A_16 = arith.constant 0 : i32
      %select_n3A_17 = arith.select %eq3A_15, %select_n3A_16, %select_n3A_14 : i32
      %add3A_18 = arith.constant 0 : i32
      %add3A_19 = arith.addi %add3A_18, %mul3A_6 : i32
      %select_n3A_20 = arith.constant true
      %select_n3A_21 = arith.constant 0 : i32
      %select_n3A_22 = arith.constant 1 : i32
      %select_n3A_23 = arith.select %select_n3A_20, %select_n3A_22, %select_n3A_21 : i32
      %eq3A_24 = arith.constant 1 : i32
      %eq3A_25 = arith.cmpi eq, %select_n3A_23, %eq3A_24 : i32
      %select_n3A_26 = arith.constant 0 : i32
      %select_n3A_27 = arith.select %eq3A_25, %select_n3A_26, %select_n3A_23 : i32
      %add3A_28 = arith.constant 0 : i32
      %add3A_29 = arith.addi %add3A_28, %mul3A_6 : i32
      %select_n3A_30 = arith.constant true
      %select_n3A_31 = arith.constant 0 : i32
      %select_n3A_32 = arith.constant 1 : i32
      %select_n3A_33 = arith.select %select_n3A_30, %select_n3A_32, %select_n3A_31 : i32
      %eq3A_34 = arith.constant 1 : i32
      %eq3A_35 = arith.cmpi eq, %select_n3A_33, %eq3A_34 : i32
      %select_n3A_36 = arith.constant 0 : i32
      %select_n3A_37 = arith.select %eq3A_35, %select_n3A_36, %select_n3A_33 : i32
      %add3A_38 = arith.constant 0 : i32
      %add3A_39 = arith.addi %add3A_38, %mul3A_6 : i32
      "tpu.trace_start"() <{level = 10 : i32, message = "ep_initialize_0"}> : () -> ()
      %rem3A = arith.constant 0 : i32
      %rem3A_40 = arith.constant 2 : i32
      %rem3A_41 = arith.remui %rem3A, %rem3A_40 : i32
      %mul3A_42 = arith.constant 128 : i32
      %mul3A_43 = arith.muli %mul3A_42, %add3A_11 : i32
      %dma_start3A = arith.constant 0 : i32
      %dma_start3A_44 = arith.constant 0 : i32
      %dma_start3A_45 = tpu.memref_slice %run_scoped3A[%rem3A_41, %dma_start3A, %dma_start3A_44] : memref<2x1x128xi32, #tpu.memory_space<vmem>> -> memref<1x1x128xi32, #tpu.memory_space<vmem>>
      %dma_start3A_46 = tpu.memref_squeeze %dma_start3A_45 : memref<1x1x128xi32, #tpu.memory_space<vmem>> -> memref<1x128xi32, #tpu.memory_space<vmem>>
      %dma_start3A_47 = arith.constant 0 : i32
      %dma_start3A_48 = tpu.memref_slice %arg3[%dma_start3A_47, %mul3A_43] : memref<1x4096xi32, #tpu.memory_space<hbm>> -> memref<1x128xi32, #tpu.memory_space<hbm>>
      %dma_start3A_49 = tpu.memref_slice %run_scoped3A_7[%rem3A_41] : memref<2x!tpu.dma_semaphore, #tpu.memory_space<semaphore_mem>> -> memref<1x!tpu.dma_semaphore, #tpu.memory_space<semaphore_mem>>
      %dma_start3A_50 = tpu.memref_squeeze %dma_start3A_49 : memref<1x!tpu.dma_semaphore, #tpu.memory_space<semaphore_mem>> -> memref<!tpu.dma_semaphore, #tpu.memory_space<semaphore_mem>>
      %dma_start3A_51 = arith.constant 0 : i32
      %dma_start3A_52 = arith.constant 0 : i32
      %dma_start3A_53 = tpu.memref_slice %run_scoped3A[%rem3A_41, %dma_start3A_51, %dma_start3A_52] : memref<2x1x128xi32, #tpu.memory_space<vmem>> -> memref<1x1x128xi32, #tpu.memory_space<vmem>>
      %dma_start3A_54 = tpu.memref_squeeze %dma_start3A_53 : memref<1x1x128xi32, #tpu.memory_space<vmem>> -> memref<1x128xi32, #tpu.memory_space<vmem>>
      %dma_start3A_55 = arith.constant 0 : i32
      %dma_start3A_56 = tpu.memref_slice %arg3[%dma_start3A_55, %mul3A_43] : memref<1x4096xi32, #tpu.memory_space<hbm>> -> memref<1x128xi32, #tpu.memory_space<hbm>>
      tpu.enqueue_dma source(%dma_start3A_56 : memref<1x128xi32, #tpu.memory_space<hbm>>) target(%dma_start3A_54 : memref<1x128xi32, #tpu.memory_space<vmem>>) target_semaphore(%dma_start3A_50 : memref<!tpu.dma_semaphore, #tpu.memory_space<semaphore_mem>>)
      %add3A_57 = arith.constant 0 : i32
      %add3A_58 = arith.constant 1 : i32
      %add3A_59 = arith.addi %add3A_57, %add3A_58 : i32
      %select_n3A_60 = arith.constant true
      %select_n3A_61 = arith.constant 0 : i32
      %select_n3A_62 = arith.select %select_n3A_60, %add3A_59, %select_n3A_61 : i32
      "tpu.trace_stop"() : () -> ()
      %scan3A = arith.constant 0 : i32
      %scan3A_63 = arith.constant 0 : i32
      %scan3A_64 = arith.constant 0 : i32
      %scan3A_65 = arith.constant 0 : i32
      %scan3A_66 = arith.constant 0 : i32
      %eq3A_67 = arith.constant 0 : i32
      %eq3A_68 = arith.cmpi eq, %scan3A_66, %eq3A_67 : i32
      %eq3A_69 = arith.constant 0 : i32
      %eq3A_70 = arith.cmpi eq, %scan3A_66, %eq3A_69 : i32
      %add3A_71 = arith.constant 0 : i32
      %add3A_72 = arith.addi %add3A_71, %mul3A_6 : i32
      %select_n3A_73 = arith.constant true
      %select_n3A_74 = arith.constant 0 : i32
      %select_n3A_75 = arith.constant -1 : i32
      %select_n3A_76 = arith.select %select_n3A_73, %select_n3A_75, %select_n3A_74 : i32
      %eq3A_77 = arith.constant -1 : i32
      %eq3A_78 = arith.cmpi eq, %select_n3A_76, %eq3A_77 : i32
      %select_n3A_79 = arith.constant 0 : i32
      %select_n3A_80 = arith.select %eq3A_78, %select_n3A_79, %select_n3A_76 : i32
      %add3A_81 = arith.constant 0 : i32
      %add3A_82 = arith.addi %add3A_81, %mul3A_6 : i32
      %select_n3A_83 = arith.constant true
      %select_n3A_84 = arith.constant 0 : i32
      %select_n3A_85 = arith.constant 1 : i32
      %select_n3A_86 = arith.select %select_n3A_83, %select_n3A_85, %select_n3A_84 : i32
      %eq3A_87 = arith.constant 1 : i32
      %eq3A_88 = arith.cmpi eq, %select_n3A_86, %eq3A_87 : i32
      %select_n3A_89 = arith.constant 0 : i32
      %select_n3A_90 = arith.select %eq3A_88, %select_n3A_89, %select_n3A_86 : i32
      %add3A_91 = arith.constant 0 : i32
      %add3A_92 = arith.addi %add3A_91, %mul3A_6 : i32
      %select_n3A_93 = arith.constant true
      %select_n3A_94 = arith.constant 0 : i32
      %select_n3A_95 = arith.constant 1 : i32
      %select_n3A_96 = arith.select %select_n3A_93, %select_n3A_95, %select_n3A_94 : i32
      %eq3A_97 = arith.constant 1 : i32
      %eq3A_98 = arith.cmpi eq, %select_n3A_96, %eq3A_97 : i32
      %select_n3A_99 = arith.constant 0 : i32
      %select_n3A_100 = arith.select %eq3A_98, %select_n3A_99, %select_n3A_96 : i32
      %add3A_101 = arith.constant 0 : i32
      %add3A_102 = arith.addi %add3A_101, %mul3A_6 : i32
      %ne3A = arith.cmpi ne, %add3A_72, %add3A_92 : i32
      %or3A = arith.constant false
      %or3A_103 = arith.ori %or3A, %ne3A : i1
      %ge3A = arith.constant 0 : i32
      %ge3A_104 = arith.cmpi sge, %scan3A_66, %ge3A : i32
      %not3A = arith.constant true
      %not3A_105 = arith.xori %ge3A_104, %not3A : i1
      %and3A = arith.andi %or3A_103, %not3A_105 : i1
      %convert_element_type3A = arith.extui %and3A : i1 to i32
      %cond3A = arith.constant 0 : i32
      %cond3A_106 = arith.cmpi ne, %convert_element_type3A, %cond3A : i32
      scf.if %cond3A_106 {
        "tpu.trace_start"() <{level = 10 : i32, message = "ep_copy_in"}> : () -> ()
        %rem3A_266 = arith.constant 2 : i32
        %rem3A_267 = arith.remui %select_n3A_62, %rem3A_266 : i32
        %mul3A_268 = arith.constant 128 : i32
        %mul3A_269 = arith.muli %mul3A_268, %add3A_92 : i32
        %dma_start3A_270 = arith.constant 0 : i32
        %dma_start3A_271 = arith.constant 0 : i32
        %dma_start3A_272 = tpu.memref_slice %run_scoped3A[%rem3A_267, %dma_start3A_270, %dma_start3A_271] : memref<2x1x128xi32, #tpu.memory_space<vmem>> -> memref<1x1x128xi32, #tpu.memory_space<vmem>>
        %dma_start3A_273 = tpu.memref_squeeze %dma_start3A_272 : memref<1x1x128xi32, #tpu.memory_space<vmem>> -> memref<1x128xi32, #tpu.memory_space<vmem>>
        %dma_start3A_274 = arith.constant 0 : i32
        %dma_start3A_275 = tpu.memref_slice %arg3[%dma_start3A_274, %mul3A_269] : memref<1x4096xi32, #tpu.memory_space<hbm>> -> memref<1x128xi32, #tpu.memory_space<hbm>>
        %dma_start3A_276 = tpu.memref_slice %run_scoped3A_7[%rem3A_267] : memref<2x!tpu.dma_semaphore, #tpu.memory_space<semaphore_mem>> -> memref<1x!tpu.dma_semaphore, #tpu.memory_space<semaphore_mem>>
        %dma_start3A_277 = tpu.memref_squeeze %dma_start3A_276 : memref<1x!tpu.dma_semaphore, #tpu.memory_space<semaphore_mem>> -> memref<!tpu.dma_semaphore, #tpu.memory_space<semaphore_mem>>
        %dma_start3A_278 = arith.constant 0 : i32
        %dma_start3A_279 = arith.constant 0 : i32
        %dma_start3A_280 = tpu.memref_slice %run_scoped3A[%rem3A_267, %dma_start3A_278, %dma_start3A_279] : memref<2x1x128xi32, #tpu.memory_space<vmem>> -> memref<1x1x128xi32, #tpu.memory_space<vmem>>
        %dma_start3A_281 = tpu.memref_squeeze %dma_start3A_280 : memref<1x1x128xi32, #tpu.memory_space<vmem>> -> memref<1x128xi32, #tpu.memory_space<vmem>>
        %dma_start3A_282 = arith.constant 0 : i32
        %dma_start3A_283 = tpu.memref_slice %arg3[%dma_start3A_282, %mul3A_269] : memref<1x4096xi32, #tpu.memory_space<hbm>> -> memref<1x128xi32, #tpu.memory_space<hbm>>
        tpu.enqueue_dma source(%dma_start3A_283 : memref<1x128xi32, #tpu.memory_space<hbm>>) target(%dma_start3A_281 : memref<1x128xi32, #tpu.memory_space<vmem>>) target_semaphore(%dma_start3A_277 : memref<!tpu.dma_semaphore, #tpu.memory_space<semaphore_mem>>)
        "tpu.trace_stop"() : () -> ()
      } else {
      }
      %and3A_107 = arith.constant true
      %and3A_108 = arith.andi %and3A, %and3A_107 : i1
      %add3A_109 = arith.constant 1 : i32
      %add3A_110 = arith.addi %select_n3A_62, %add3A_109 : i32
      %select_n3A_111 = arith.select %and3A_108, %add3A_110, %select_n3A_62 : i32
      %ne3A_112 = arith.cmpi ne, %add3A_72, %add3A_92 : i32
      %or3A_113 = arith.constant false
      %or3A_114 = arith.ori %or3A_113, %ne3A_112 : i1
      %or3A_115 = arith.constant false
      %or3A_116 = arith.ori %or3A_114, %or3A_115 : i1
      %ge3A_117 = arith.constant 0 : i32
      %ge3A_118 = arith.cmpi sge, %scan3A_66, %ge3A_117 : i32
      %not3A_119 = arith.constant true
      %not3A_120 = arith.xori %ge3A_118, %not3A_119 : i1
      %and3A_121 = arith.andi %or3A_116, %not3A_120 : i1
      %ne3A_122 = arith.cmpi ne, %add3A_72, %add3A_82 : i32
      %or3A_123 = arith.constant false
      %or3A_124 = arith.ori %or3A_123, %ne3A_122 : i1
      %or3A_125 = arith.ori %or3A_124, %eq3A_68 : i1
      %convert_element_type3A_126 = arith.extui %or3A_125 : i1 to i32
      %cond3A_127 = arith.constant 0 : i32
      %cond3A_128 = arith.cmpi ne, %convert_element_type3A_126, %cond3A_127 : i32
      scf.if %cond3A_128 {
        "tpu.trace_start"() <{level = 10 : i32, message = "ep_wait_in"}> : () -> ()
        %mul3A_266 = arith.constant 128 : i32
        %mul3A_267 = arith.muli %mul3A_266, %add3A_72 : i32
        %rem3A_268 = arith.constant 2 : i32
        %rem3A_269 = arith.remui %scan3A, %rem3A_268 : i32
        %dma_wait3A_270 = arith.constant 0 : i32
        %dma_wait3A_271 = arith.constant 0 : i32
        %dma_wait3A_272 = tpu.memref_slice %run_scoped3A[%rem3A_269, %dma_wait3A_270, %dma_wait3A_271] : memref<2x1x128xi32, #tpu.memory_space<vmem>> -> memref<1x1x128xi32, #tpu.memory_space<vmem>>
        %dma_wait3A_273 = tpu.memref_squeeze %dma_wait3A_272 : memref<1x1x128xi32, #tpu.memory_space<vmem>> -> memref<1x128xi32, #tpu.memory_space<vmem>>
        %dma_wait3A_274 = arith.constant 0 : i32
        %dma_wait3A_275 = tpu.memref_slice %arg3[%dma_wait3A_274, %mul3A_267] : memref<1x4096xi32, #tpu.memory_space<hbm>> -> memref<1x128xi32, #tpu.memory_space<hbm>>
        %dma_wait3A_276 = tpu.memref_slice %run_scoped3A_7[%rem3A_269] : memref<2x!tpu.dma_semaphore, #tpu.memory_space<semaphore_mem>> -> memref<1x!tpu.dma_semaphore, #tpu.memory_space<semaphore_mem>>
        %dma_wait3A_277 = tpu.memref_squeeze %dma_wait3A_276 : memref<1x!tpu.dma_semaphore, #tpu.memory_space<semaphore_mem>> -> memref<!tpu.dma_semaphore, #tpu.memory_space<semaphore_mem>>
        %dma_wait3A_278 = arith.constant 0 : i32
        %dma_wait3A_279 = arith.constant 0 : i32
        %dma_wait3A_280 = tpu.memref_slice %run_scoped3A[%rem3A_269, %dma_wait3A_278, %dma_wait3A_279] : memref<2x1x128xi32, #tpu.memory_space<vmem>> -> memref<1x1x128xi32, #tpu.memory_space<vmem>>
        %dma_wait3A_281 = tpu.memref_squeeze %dma_wait3A_280 : memref<1x1x128xi32, #tpu.memory_space<vmem>> -> memref<1x128xi32, #tpu.memory_space<vmem>>
        %dma_wait3A_282 = arith.constant 0 : i32
        %dma_wait3A_283 = tpu.memref_slice %arg3[%dma_wait3A_282, %mul3A_267] : memref<1x4096xi32, #tpu.memory_space<hbm>> -> memref<1x128xi32, #tpu.memory_space<hbm>>
        tpu.wait_dma2 semaphore(%dma_wait3A_277 : memref<!tpu.dma_semaphore, #tpu.memory_space<semaphore_mem>>) src(%dma_wait3A_283 : memref<1x128xi32, #tpu.memory_space<hbm>>) dst(%dma_wait3A_281 : memref<1x128xi32, #tpu.memory_space<vmem>>)
        "tpu.trace_stop"() : () -> ()
      } else {
      }
      %ne3A_129 = arith.cmpi ne, %add3A_72, %add3A_82 : i32
      %or3A_130 = arith.constant false
      %or3A_131 = arith.ori %or3A_130, %ne3A_129 : i1
      %or3A_132 = arith.constant false
      %or3A_133 = arith.ori %or3A_131, %or3A_132 : i1
      %or3A_134 = arith.ori %or3A_133, %eq3A_68 : i1
      %convert_element_type3A_135 = arith.extui %or3A_134 : i1 to i32
      %cond3A_136 = arith.constant 0 : i32
      %cond3A_137 = arith.cmpi ne, %convert_element_type3A_135, %cond3A_136 : i32
      scf.if %cond3A_137 {
      } else {
      }
      %rem3A_138 = arith.constant 2 : i32
      %rem3A_139 = arith.remui %scan3A, %rem3A_138 : i32
      %rem3A_140 = arith.constant 2 : i32
      %rem3A_141 = arith.remui %scan3A_63, %rem3A_140 : i32
      %run_scoped3A_142 = arith.constant 0 : i32
      "tpu.trace_start"() <{level = 10 : i32, message = "ep_run_kernel"}> : () -> ()
      "tpu.region"() ({
        %run_scoped3A_266 = tpu.sem_alloc : memref<!tpu.dma_semaphore, #tpu.memory_space<semaphore_mem>>
        %dma_start3A_267 = arith.constant 0 : i32
        %dma_start3A_268 = arith.constant 0 : i32
        %dma_start3A_269 = tpu.memref_slice %run_scoped3A_8[%rem3A_141, %dma_start3A_267, %dma_start3A_268] : memref<2x128x128xf32, #tpu.memory_space<vmem>> -> memref<1x128x128xf32, #tpu.memory_space<vmem>>
        %dma_start3A_270 = tpu.memref_squeeze %dma_start3A_269 : memref<1x128x128xf32, #tpu.memory_space<vmem>> -> memref<128x128xf32, #tpu.memory_space<vmem>>
        %dma_start3A_271 = arith.constant 0 : i32
        %dma_start3A_272 = arith.constant 0 : i32
        %dma_start3A_273 = tpu.memref_slice %run_scoped3A[%rem3A_139, %dma_start3A_271, %dma_start3A_272] : memref<2x1x128xi32, #tpu.memory_space<vmem>> -> memref<1x1x128xi32, #tpu.memory_space<vmem>>
        %dma_start3A_274 = tpu.memref_squeeze %dma_start3A_273 : memref<1x1x128xi32, #tpu.memory_space<vmem>> -> memref<1x128xi32, #tpu.memory_space<vmem>>
        %dma_start3A_275 = arith.constant 0 : i32
        %dma_start3A_276 = tpu.memref_slice %dma_start3A_274[%run_scoped3A_142, %dma_start3A_275] : memref<1x128xi32, #tpu.memory_space<vmem>> -> memref<1x128xi32, #tpu.memory_space<vmem>>
        %dma_start3A_277 = tpu.memref_squeeze %dma_start3A_276 : memref<1x128xi32, #tpu.memory_space<vmem>> -> memref<128xi32, #tpu.memory_space<vmem>>
        %dma_start3A_278 = arith.constant 0 : i32
        %dma_start3A_279 = arith.constant 0 : i32
        %dma_start3A_280 = tpu.memref_slice %arg2[%dma_start3A_278, %dma_start3A_279] : memref<1024x128xf32, #tpu.memory_space<hbm>> -> memref<1024x128xf32, #tpu.memory_space<hbm>>
        tpu.enqueue_indirect_dma source(%dma_start3A_280 : memref<1024x128xf32, #tpu.memory_space<hbm>>) target(%dma_start3A_270 : memref<128x128xf32, #tpu.memory_space<vmem>>) offsets(%dma_start3A_277 : memref<128xi32, #tpu.memory_space<vmem>>) semaphore(%run_scoped3A_266 : memref<!tpu.dma_semaphore, #tpu.memory_space<semaphore_mem>>)
        %dma_wait3A_281 = arith.constant 0 : i32
        %dma_wait3A_282 = arith.constant 0 : i32
        %dma_wait3A_283 = tpu.memref_slice %run_scoped3A_8[%rem3A_141, %dma_wait3A_281, %dma_wait3A_282] : memref<2x128x128xf32, #tpu.memory_space<vmem>> -> memref<1x128x128xf32, #tpu.memory_space<vmem>>
        %dma_wait3A_284 = tpu.memref_squeeze %dma_wait3A_283 : memref<1x128x128xf32, #tpu.memory_space<vmem>> -> memref<128x128xf32, #tpu.memory_space<vmem>>
        %dma_wait3A_285 = arith.constant 0 : i32
        %dma_wait3A_286 = arith.constant 0 : i32
        %dma_wait3A_287 = tpu.memref_slice %run_scoped3A[%rem3A_139, %dma_wait3A_285, %dma_wait3A_286] : memref<2x1x128xi32, #tpu.memory_space<vmem>> -> memref<1x1x128xi32, #tpu.memory_space<vmem>>
        %dma_wait3A_288 = tpu.memref_squeeze %dma_wait3A_287 : memref<1x1x128xi32, #tpu.memory_space<vmem>> -> memref<1x128xi32, #tpu.memory_space<vmem>>
        %dma_wait3A_289 = arith.constant 0 : i32
        %dma_wait3A_290 = tpu.memref_slice %dma_wait3A_288[%run_scoped3A_142, %dma_wait3A_289] : memref<1x128xi32, #tpu.memory_space<vmem>> -> memref<1x128xi32, #tpu.memory_space<vmem>>
        %dma_wait3A_291 = tpu.memref_squeeze %dma_wait3A_290 : memref<1x128xi32, #tpu.memory_space<vmem>> -> memref<128xi32, #tpu.memory_space<vmem>>
        %dma_wait3A_292 = arith.constant 0 : i32
        %dma_wait3A_293 = arith.constant 0 : i32
        %dma_wait3A_294 = tpu.memref_slice %arg2[%dma_wait3A_292, %dma_wait3A_293] : memref<1024x128xf32, #tpu.memory_space<hbm>> -> memref<1024x128xf32, #tpu.memory_space<hbm>>
        tpu.wait_indirect_dma semaphore(%run_scoped3A_266 : memref<!tpu.dma_semaphore, #tpu.memory_space<semaphore_mem>>) src(%dma_wait3A_294 : memref<1024x128xf32, #tpu.memory_space<hbm>>) dst(%dma_wait3A_284 : memref<128x128xf32, #tpu.memory_space<vmem>>)
        tpu.yield
      }) : () -> ()
      "tpu.trace_stop"() : () -> ()
      %ne3A_143 = arith.cmpi ne, %add3A_72, %add3A_92 : i32
      %or3A_144 = arith.constant false
      %or3A_145 = arith.ori %or3A_144, %ne3A_143 : i1
      %or3A_146 = arith.ori %or3A_145, %eq3A_70 : i1
      %convert_element_type3A_147 = arith.extui %or3A_146 : i1 to i32
      %cond3A_148 = arith.constant 0 : i32
      %cond3A_149 = arith.cmpi ne, %convert_element_type3A_147, %cond3A_148 : i32
      scf.if %cond3A_149 {
      } else {
      }
      %and3A_150 = arith.constant false
      %and3A_151 = arith.andi %or3A_146, %and3A_150 : i1
      %ne3A_152 = arith.cmpi ne, %add3A_72, %add3A_92 : i32
      %or3A_153 = arith.constant false
      %or3A_154 = arith.ori %or3A_153, %ne3A_152 : i1
      %or3A_155 = arith.constant false
      %or3A_156 = arith.ori %or3A_154, %or3A_155 : i1
      %or3A_157 = arith.ori %or3A_156, %eq3A_70 : i1
      %convert_element_type3A_158 = arith.extui %or3A_157 : i1 to i32
      %cond3A_159 = arith.constant 0 : i32
      %cond3A_160 = arith.cmpi ne, %convert_element_type3A_158, %cond3A_159 : i32
      scf.if %cond3A_160 {
        "tpu.trace_start"() <{level = 10 : i32, message = "ep_copy_out"}> : () -> ()
        %rem3A_266 = arith.constant 2 : i32
        %rem3A_267 = arith.remui %scan3A_63, %rem3A_266 : i32
        %mul3A_268 = arith.constant 128 : i32
        %mul3A_269 = arith.muli %mul3A_268, %add3A_72 : i32
        %dma_start3A_270 = arith.constant 0 : i32
        %dma_start3A_271 = arith.constant 0 : i32
        %dma_start3A_272 = tpu.memref_slice %run_scoped3A_8[%rem3A_267, %dma_start3A_270, %dma_start3A_271] : memref<2x128x128xf32, #tpu.memory_space<vmem>> -> memref<1x128x128xf32, #tpu.memory_space<vmem>>
        %dma_start3A_273 = tpu.memref_squeeze %dma_start3A_272 : memref<1x128x128xf32, #tpu.memory_space<vmem>> -> memref<128x128xf32, #tpu.memory_space<vmem>>
        %dma_start3A_274 = arith.constant 0 : i32
        %dma_start3A_275 = tpu.memref_slice %arg4[%mul3A_269, %dma_start3A_274] : memref<4096x128xf32, #tpu.memory_space<hbm>> -> memref<128x128xf32, #tpu.memory_space<hbm>>
        %dma_start3A_276 = tpu.memref_slice %run_scoped3A_9[%rem3A_267] : memref<2x!tpu.dma_semaphore, #tpu.memory_space<semaphore_mem>> -> memref<1x!tpu.dma_semaphore, #tpu.memory_space<semaphore_mem>>
        %dma_start3A_277 = tpu.memref_squeeze %dma_start3A_276 : memref<1x!tpu.dma_semaphore, #tpu.memory_space<semaphore_mem>> -> memref<!tpu.dma_semaphore, #tpu.memory_space<semaphore_mem>>
        %dma_start3A_278 = arith.constant 0 : i32
        %dma_start3A_279 = tpu.memref_slice %arg4[%mul3A_269, %dma_start3A_278] : memref<4096x128xf32, #tpu.memory_space<hbm>> -> memref<128x128xf32, #tpu.memory_space<hbm>>
        %dma_start3A_280 = arith.constant 0 : i32
        %dma_start3A_281 = arith.constant 0 : i32
        %dma_start3A_282 = tpu.memref_slice %run_scoped3A_8[%rem3A_267, %dma_start3A_280, %dma_start3A_281] : memref<2x128x128xf32, #tpu.memory_space<vmem>> -> memref<1x128x128xf32, #tpu.memory_space<vmem>>
        %dma_start3A_283 = tpu.memref_squeeze %dma_start3A_282 : memref<1x128x128xf32, #tpu.memory_space<vmem>> -> memref<128x128xf32, #tpu.memory_space<vmem>>
        tpu.enqueue_dma source(%dma_start3A_283 : memref<128x128xf32, #tpu.memory_space<vmem>>) target(%dma_start3A_279 : memref<128x128xf32, #tpu.memory_space<hbm>>) target_semaphore(%dma_start3A_277 : memref<!tpu.dma_semaphore, #tpu.memory_space<semaphore_mem>>)
        "tpu.trace_stop"() : () -> ()
      } else {
      }
      %and3A_161 = arith.constant true
      %and3A_162 = arith.andi %or3A_157, %and3A_161 : i1
      %add3A_163 = arith.constant 1 : i32
      %add3A_164 = arith.addi %scan3A_63, %add3A_163 : i32
      %select_n3A_165 = arith.select %and3A_162, %add3A_164, %scan3A_63 : i32
      %ne3A_166 = arith.cmpi ne, %add3A_72, %add3A_82 : i32
      %or3A_167 = arith.constant false
      %or3A_168 = arith.ori %or3A_167, %ne3A_166 : i1
      %not3A_169 = arith.constant true
      %not3A_170 = arith.xori %eq3A_68, %not3A_169 : i1
      %and3A_171 = arith.andi %or3A_168, %not3A_170 : i1
      %convert_element_type3A_172 = arith.extui %and3A_171 : i1 to i32
      %cond3A_173 = arith.constant 0 : i32
      %cond3A_174 = arith.cmpi ne, %convert_element_type3A_172, %cond3A_173 : i32
      scf.if %cond3A_174 {
      } else {
      }
      %and3A_175 = arith.constant false
      %and3A_176 = arith.andi %and3A_171, %and3A_175 : i1
      %ne3A_177 = arith.cmpi ne, %add3A_72, %add3A_82 : i32
      %or3A_178 = arith.constant false
      %or3A_179 = arith.ori %or3A_178, %ne3A_177 : i1
      %or3A_180 = arith.constant false
      %or3A_181 = arith.ori %or3A_179, %or3A_180 : i1
      %not3A_182 = arith.constant true
      %not3A_183 = arith.xori %eq3A_68, %not3A_182 : i1
      %and3A_184 = arith.andi %or3A_181, %not3A_183 : i1
      %convert_element_type3A_185 = arith.extui %and3A_184 : i1 to i32
      %cond3A_186 = arith.constant 0 : i32
      %cond3A_187 = arith.cmpi ne, %convert_element_type3A_185, %cond3A_186 : i32
      scf.if %cond3A_187 {
        "tpu.trace_start"() <{level = 10 : i32, message = "ep_wait_out"}> : () -> ()
        %rem3A_266 = arith.constant 2 : i32
        %rem3A_267 = arith.remui %scan3A_64, %rem3A_266 : i32
        %mul3A_268 = arith.constant 128 : i32
        %mul3A_269 = arith.muli %mul3A_268, %add3A_82 : i32
        %dma_wait3A_270 = arith.constant 0 : i32
        %dma_wait3A_271 = arith.constant 0 : i32
        %dma_wait3A_272 = tpu.memref_slice %run_scoped3A_8[%rem3A_267, %dma_wait3A_270, %dma_wait3A_271] : memref<2x128x128xf32, #tpu.memory_space<vmem>> -> memref<1x128x128xf32, #tpu.memory_space<vmem>>
        %dma_wait3A_273 = tpu.memref_squeeze %dma_wait3A_272 : memref<1x128x128xf32, #tpu.memory_space<vmem>> -> memref<128x128xf32, #tpu.memory_space<vmem>>
        %dma_wait3A_274 = arith.constant 0 : i32
        %dma_wait3A_275 = tpu.memref_slice %arg4[%mul3A_269, %dma_wait3A_274] : memref<4096x128xf32, #tpu.memory_space<hbm>> -> memref<128x128xf32, #tpu.memory_space<hbm>>
        %dma_wait3A_276 = tpu.memref_slice %run_scoped3A_9[%rem3A_267] : memref<2x!tpu.dma_semaphore, #tpu.memory_space<semaphore_mem>> -> memref<1x!tpu.dma_semaphore, #tpu.memory_space<semaphore_mem>>
        %dma_wait3A_277 = tpu.memref_squeeze %dma_wait3A_276 : memref<1x!tpu.dma_semaphore, #tpu.memory_space<semaphore_mem>> -> memref<!tpu.dma_semaphore, #tpu.memory_space<semaphore_mem>>
        %dma_wait3A_278 = arith.constant 0 : i32
        %dma_wait3A_279 = tpu.memref_slice %arg4[%mul3A_269, %dma_wait3A_278] : memref<4096x128xf32, #tpu.memory_space<hbm>> -> memref<128x128xf32, #tpu.memory_space<hbm>>
        %dma_wait3A_280 = arith.constant 0 : i32
        %dma_wait3A_281 = arith.constant 0 : i32
        %dma_wait3A_282 = tpu.memref_slice %run_scoped3A_8[%rem3A_267, %dma_wait3A_280, %dma_wait3A_281] : memref<2x128x128xf32, #tpu.memory_space<vmem>> -> memref<1x128x128xf32, #tpu.memory_space<vmem>>
        %dma_wait3A_283 = tpu.memref_squeeze %dma_wait3A_282 : memref<1x128x128xf32, #tpu.memory_space<vmem>> -> memref<128x128xf32, #tpu.memory_space<vmem>>
        tpu.wait_dma2 semaphore(%dma_wait3A_277 : memref<!tpu.dma_semaphore, #tpu.memory_space<semaphore_mem>>) src(%dma_wait3A_283 : memref<128x128xf32, #tpu.memory_space<vmem>>) dst(%dma_wait3A_279 : memref<128x128xf32, #tpu.memory_space<hbm>>)
        "tpu.trace_stop"() : () -> ()
      } else {
      }
      %and3A_188 = arith.constant true
      %and3A_189 = arith.andi %and3A_184, %and3A_188 : i1
      %add3A_190 = arith.constant 1 : i32
      %add3A_191 = arith.addi %scan3A_64, %add3A_190 : i32
      %select_n3A_192 = arith.select %and3A_189, %add3A_191, %scan3A_64 : i32
      %ne3A_193 = arith.cmpi ne, %add3A_72, %add3A_92 : i32
      %or3A_194 = arith.constant false
      %or3A_195 = arith.ori %or3A_194, %ne3A_193 : i1
      %or3A_196 = arith.ori %or3A_195, %eq3A_70 : i1
      %add3A_197 = arith.constant 1 : i32
      %add3A_198 = arith.addi %scan3A, %add3A_197 : i32
      %select_n3A_199 = arith.select %or3A_196, %add3A_198, %scan3A : i32
      %select_n3A_200 = arith.constant true
      %select_n3A_201 = arith.constant 0 : i32
      %select_n3A_202 = arith.constant 1 : i32
      %select_n3A_203 = arith.select %select_n3A_200, %select_n3A_202, %select_n3A_201 : i32
      %eq3A_204 = arith.constant 1 : i32
      %eq3A_205 = arith.cmpi eq, %select_n3A_203, %eq3A_204 : i32
      %select_n3A_206 = arith.constant 0 : i32
      %select_n3A_207 = arith.select %eq3A_205, %select_n3A_206, %select_n3A_203 : i32
      %scan3A_208 = arith.constant 0 : i32
      %scan3A_209 = arith.constant 1 : i32
      %sub3A = arith.constant 1 : i32
      %sub3A_210 = arith.subi %scan3A_208, %sub3A : i32
      %select_n3A_211 = arith.constant true
      %select_n3A_212 = arith.select %select_n3A_211, %sub3A_210, %scan3A_208 : i32
      %eq3A_213 = arith.constant -1 : i32
      %eq3A_214 = arith.cmpi eq, %select_n3A_212, %eq3A_213 : i32
      %select_n3A_215 = arith.constant 0 : i32
      %select_n3A_216 = arith.select %eq3A_214, %select_n3A_215, %select_n3A_212 : i32
      %add3A_217 = arith.constant 0 : i32
      %add3A_218 = arith.addi %add3A_217, %mul3A_6 : i32
      %select_n3A_219 = arith.constant true
      %select_n3A_220 = arith.constant 0 : i32
      %select_n3A_221 = arith.constant -1 : i32
      %select_n3A_222 = arith.select %select_n3A_219, %select_n3A_221, %select_n3A_220 : i32
      %eq3A_223 = arith.constant -1 : i32
      %eq3A_224 = arith.cmpi eq, %select_n3A_222, %eq3A_223 : i32
      %select_n3A_225 = arith.constant 0 : i32
      %select_n3A_226 = arith.select %eq3A_224, %select_n3A_225, %select_n3A_222 : i32
      %add3A_227 = arith.constant 0 : i32
      %add3A_228 = arith.addi %add3A_227, %mul3A_6 : i32
      %select_n3A_229 = arith.constant true
      %select_n3A_230 = arith.constant 0 : i32
      %select_n3A_231 = arith.constant 1 : i32
      %select_n3A_232 = arith.select %select_n3A_229, %select_n3A_231, %select_n3A_230 : i32
      %eq3A_233 = arith.constant 1 : i32
      %eq3A_234 = arith.cmpi eq, %select_n3A_232, %eq3A_233 : i32
      %select_n3A_235 = arith.constant 0 : i32
      %select_n3A_236 = arith.select %eq3A_234, %select_n3A_235, %select_n3A_232 : i32
      %add3A_237 = arith.constant 0 : i32
      %add3A_238 = arith.addi %add3A_237, %mul3A_6 : i32
      %select_n3A_239 = arith.constant true
      %select_n3A_240 = arith.constant 0 : i32
      %select_n3A_241 = arith.constant 1 : i32
      %select_n3A_242 = arith.select %select_n3A_239, %select_n3A_241, %select_n3A_240 : i32
      %eq3A_243 = arith.constant 1 : i32
      %eq3A_244 = arith.cmpi eq, %select_n3A_242, %eq3A_243 : i32
      %select_n3A_245 = arith.constant 0 : i32
      %select_n3A_246 = arith.select %eq3A_244, %select_n3A_245, %select_n3A_242 : i32
      %add3A_247 = arith.constant 0 : i32
      %add3A_248 = arith.addi %add3A_247, %mul3A_6 : i32
      "tpu.trace_start"() <{level = 10 : i32, message = "ep_finalize"}> : () -> ()
      %rem3A_249 = arith.constant 2 : i32
      %rem3A_250 = arith.remui %select_n3A_192, %rem3A_249 : i32
      %mul3A_251 = arith.constant 128 : i32
      %mul3A_252 = arith.muli %mul3A_251, %add3A_218 : i32
      %dma_wait3A = arith.constant 0 : i32
      %dma_wait3A_253 = arith.constant 0 : i32
      %dma_wait3A_254 = tpu.memref_slice %run_scoped3A_8[%rem3A_250, %dma_wait3A, %dma_wait3A_253] : memref<2x128x128xf32, #tpu.memory_space<vmem>> -> memref<1x128x128xf32, #tpu.memory_space<vmem>>
      %dma_wait3A_255 = tpu.memref_squeeze %dma_wait3A_254 : memref<1x128x128xf32, #tpu.memory_space<vmem>> -> memref<128x128xf32, #tpu.memory_space<vmem>>
      %dma_wait3A_256 = arith.constant 0 : i32
      %dma_wait3A_257 = tpu.memref_slice %arg4[%mul3A_252, %dma_wait3A_256] : memref<4096x128xf32, #tpu.memory_space<hbm>> -> memref<128x128xf32, #tpu.memory_space<hbm>>
      %dma_wait3A_258 = tpu.memref_slice %run_scoped3A_9[%rem3A_250] : memref<2x!tpu.dma_semaphore, #tpu.memory_space<semaphore_mem>> -> memref<1x!tpu.dma_semaphore, #tpu.memory_space<semaphore_mem>>
      %dma_wait3A_259 = tpu.memref_squeeze %dma_wait3A_258 : memref<1x!tpu.dma_semaphore, #tpu.memory_space<semaphore_mem>> -> memref<!tpu.dma_semaphore, #tpu.memory_space<semaphore_mem>>
      %dma_wait3A_260 = arith.constant 0 : i32
      %dma_wait3A_261 = tpu.memref_slice %arg4[%mul3A_252, %dma_wait3A_260] : memref<4096x128xf32, #tpu.memory_space<hbm>> -> memref<128x128xf32, #tpu.memory_space<hbm>>
      %dma_wait3A_262 = arith.constant 0 : i32
      %dma_wait3A_263 = arith.constant 0 : i32
      %dma_wait3A_264 = tpu.memref_slice %run_scoped3A_8[%rem3A_250, %dma_wait3A_262, %dma_wait3A_263] : memref<2x128x128xf32, #tpu.memory_space<vmem>> -> memref<1x128x128xf32, #tpu.memory_space<vmem>>
      %dma_wait3A_265 = tpu.memref_squeeze %dma_wait3A_264 : memref<1x128x128xf32, #tpu.memory_space<vmem>> -> memref<128x128xf32, #tpu.memory_space<vmem>>
      tpu.wait_dma2 semaphore(%dma_wait3A_259 : memref<!tpu.dma_semaphore, #tpu.memory_space<semaphore_mem>>) src(%dma_wait3A_265 : memref<128x128xf32, #tpu.memory_space<vmem>>) dst(%dma_wait3A_261 : memref<128x128xf32, #tpu.memory_space<hbm>>)
      "tpu.trace_stop"() : () -> ()
      tpu.yield
    }) : () -> ()
    return
  }
}

module attributes {stable_mosaic.version = 14 : i64} {
  func.func @_tc_body(%arg0: i32, %arg1: memref<32x2048xf32, #tpu.memory_space<vmem>>, %arg2: memref<1024x32xf32, #tpu.memory_space<vmem>>, %arg3: memref<32x1024xf32, #tpu.memory_space<vmem>>, %arg4: memref<1x2048xi32, #tpu.memory_space<vmem>>, %arg5: memref<1x1xf32, #tpu.memory_space<vmem>>) attributes {dimension_semantics = [#tpu.dimension_semantics<arbitrary>], iteration_bounds = array<i64: 2>, scalar_prefetch = 0 : i64, scratch_operands = 0 : i64, tpu.core_type = #tpu.core_type<tc>, window_params = [{transform_indices = @transform_0, window_bounds = array<i64: 32, 2048>}, {pipeline_mode = #tpu.pipeline_mode<synchronous>, transform_indices = @transform_1, window_bounds = array<i64: 1024, 32>}, {pipeline_mode = #tpu.pipeline_mode<synchronous>, transform_indices = @transform_2, window_bounds = array<i64: 32, 1024>}, {transform_indices = @transform_3, window_bounds = array<i64: 1, 2048>}, {pipeline_mode = #tpu.pipeline_mode<synchronous>, transform_indices = @transform_4, window_bounds = array<i64: 1, 1>}]} {
    %get3A = arith.constant 0 : index
    %get3A_0 = arith.constant 0 : index
    %get3A_1 = vector.load %arg1[%get3A, %get3A_0] : memref<32x2048xf32, #tpu.memory_space<vmem>>, vector<32x2048xf32>
    %get3A_2 = arith.constant 0 : index
    %get3A_3 = arith.constant 0 : index
    %get3A_4 = vector.load %arg2[%get3A_2, %get3A_3] : memref<1024x32xf32, #tpu.memory_space<vmem>>, vector<1024x32xf32>
    %get3A_5 = arith.constant 0 : index
    %get3A_6 = arith.constant 0 : index
    %get3A_7 = vector.load %arg3[%get3A_5, %get3A_6] : memref<32x1024xf32, #tpu.memory_space<vmem>>, vector<32x1024xf32>
    %convert_element_type3A = arith.truncf %get3A_4 : vector<1024x32xf32> to vector<1024x32xbf16>
    %convert_element_type3A_8 = arith.extf %convert_element_type3A : vector<1024x32xbf16> to vector<1024x32xf32>
    %sub3A = arith.subf %get3A_4, %convert_element_type3A_8 : vector<1024x32xf32>
    %convert_element_type3A_9 = arith.truncf %sub3A : vector<1024x32xf32> to vector<1024x32xbf16>
    %convert_element_type3A_10 = arith.truncf %get3A_1 : vector<32x2048xf32> to vector<32x2048xbf16>
    %convert_element_type3A_11 = arith.extf %convert_element_type3A_10 : vector<32x2048xbf16> to vector<32x2048xf32>
    %sub3A_12 = arith.subf %get3A_1, %convert_element_type3A_11 : vector<32x2048xf32>
    %convert_element_type3A_13 = arith.truncf %sub3A_12 : vector<32x2048xf32> to vector<32x2048xbf16>
    %dot_general3A = arith.constant dense<0.000000e+00> : vector<1024x2048xf32>
    %dot_general3A_14 = tpu.matmul %convert_element_type3A, %convert_element_type3A_10, %dot_general3A {dimension_numbers = #tpu.dot_dimension_numbers<[1], [0], [0], [1], [0, 0, 1, 1], [], []>, transpose_lhs_hint = false} : vector<1024x32xbf16>, vector<32x2048xbf16>, vector<1024x2048xf32> -> vector<1024x2048xf32>
    %dot_general3A_15 = arith.constant dense<0.000000e+00> : vector<1024x2048xf32>
    %dot_general3A_16 = tpu.matmul %convert_element_type3A, %convert_element_type3A_13, %dot_general3A_15 {dimension_numbers = #tpu.dot_dimension_numbers<[1], [0], [0], [1], [0, 0, 1, 1], [], []>, transpose_lhs_hint = false} : vector<1024x32xbf16>, vector<32x2048xbf16>, vector<1024x2048xf32> -> vector<1024x2048xf32>
    %add3A = arith.addf %dot_general3A_14, %dot_general3A_16 : vector<1024x2048xf32>
    %dot_general3A_17 = arith.constant dense<0.000000e+00> : vector<1024x2048xf32>
    %dot_general3A_18 = tpu.matmul %convert_element_type3A_9, %convert_element_type3A_10, %dot_general3A_17 {dimension_numbers = #tpu.dot_dimension_numbers<[1], [0], [0], [1], [0, 0, 1, 1], [], []>, transpose_lhs_hint = false} : vector<1024x32xbf16>, vector<32x2048xbf16>, vector<1024x2048xf32> -> vector<1024x2048xf32>
    %add3A_19 = arith.addf %add3A, %dot_general3A_18 : vector<1024x2048xf32>
    %mul3A = arith.mulf %get3A_4, %get3A_4 : vector<1024x32xf32>
    %reduce_sum3A = arith.constant dense<0.000000e+00> : vector<1024xf32>
    %reduce_sum3A_20 = vector.multi_reduction <add>, %mul3A, %reduce_sum3A [1] : vector<1024x32xf32> to vector<1024xf32>
    %broadcast_in_dim3A = vector.shape_cast %reduce_sum3A_20 : vector<1024xf32> to vector<1024x1xf32>
    %add3A_21 = arith.addf %add3A_19, %add3A_19 : vector<1024x2048xf32>
    %sub3A_22 = vector.broadcast %broadcast_in_dim3A : vector<1024x1xf32> to vector<1024x2048xf32>
    %sub3A_23 = arith.subf %sub3A_22, %add3A_21 : vector<1024x2048xf32>
    %convert_element_type3A_24 = arith.truncf %get3A_7 : vector<32x1024xf32> to vector<32x1024xbf16>
    %convert_element_type3A_25 = arith.extf %convert_element_type3A_24 : vector<32x1024xbf16> to vector<32x1024xf32>
    %sub3A_26 = arith.subf %get3A_7, %convert_element_type3A_25 : vector<32x1024xf32>
    %convert_element_type3A_27 = arith.truncf %sub3A_26 : vector<32x1024xf32> to vector<32x1024xbf16>
    %convert_element_type3A_28 = arith.extf %convert_element_type3A_27 : vector<32x1024xbf16> to vector<32x1024xf32>
    %sub3A_29 = arith.subf %sub3A_26, %convert_element_type3A_28 : vector<32x1024xf32>
    %convert_element_type3A_30 = arith.truncf %sub3A_29 : vector<32x1024xf32> to vector<32x1024xbf16>
    %iota3A = tpu.iota {dimensions = array<i32: 0>} : vector<1024x2048xi32>
    %reduce_min3A = arith.constant dense<0x7F800000> : vector<2048xf32>
    %reduce_min3A_31 = vector.multi_reduction <minimumf>, %sub3A_23, %reduce_min3A [0] : vector<1024x2048xf32> to vector<2048xf32>
    %broadcast_in_dim3A_32 = vector.shape_cast %reduce_min3A_31 : vector<2048xf32> to vector<1x2048xf32>
    %eq3A = vector.broadcast %broadcast_in_dim3A_32 : vector<1x2048xf32> to vector<1024x2048xf32>
    %eq3A_33 = arith.cmpf oeq, %sub3A_23, %eq3A : vector<1024x2048xf32>
    %jit3A = arith.constant 1024 : i32
    %broadcast_in_dim3A_34 = vector.broadcast %jit3A : i32 to vector<1024x2048xi32>
    %select_n3A = arith.select %eq3A_33, %iota3A, %broadcast_in_dim3A_34 : vector<1024x2048xi1>, vector<1024x2048xi32>
    %reduce_min3A_35 = arith.constant dense<2147483647> : vector<2048xi32>
    %reduce_min3A_36 = vector.multi_reduction <minsi>, %select_n3A, %reduce_min3A_35 [0] : vector<1024x2048xi32> to vector<2048xi32>
    %broadcast_in_dim3A_37 = vector.shape_cast %reduce_min3A_36 : vector<2048xi32> to vector<1x2048xi32>
    %eq3A_38 = vector.broadcast %broadcast_in_dim3A_37 : vector<1x2048xi32> to vector<1024x2048xi32>
    %eq3A_39 = arith.cmpi eq, %iota3A, %eq3A_38 : vector<1024x2048xi32>
    %convert_element_type3A_40 = arith.extui %eq3A_39 : vector<1024x2048xi1> to vector<1024x2048xi32>
    %convert_element_type3A_41 = arith.sitofp %convert_element_type3A_40 : vector<1024x2048xi32> to vector<1024x2048xf32>
    %convert_element_type3A_42 = arith.truncf %convert_element_type3A_41 : vector<1024x2048xf32> to vector<1024x2048xbf16>
    %jit3A_43 = arith.constant 0x7F800000 : f32
    %broadcast_in_dim3A_44 = vector.broadcast %jit3A_43 : f32 to vector<1024x2048xf32>
    %select_n3A_45 = arith.select %eq3A_39, %broadcast_in_dim3A_44, %sub3A_23 : vector<1024x2048xi1>, vector<1024x2048xf32>
    %reduce_min3A_46 = arith.constant dense<0x7F800000> : vector<2048xf32>
    %reduce_min3A_47 = vector.multi_reduction <minimumf>, %select_n3A_45, %reduce_min3A_46 [0] : vector<1024x2048xf32> to vector<2048xf32>
    %broadcast_in_dim3A_48 = vector.shape_cast %reduce_min3A_47 : vector<2048xf32> to vector<1x2048xf32>
    %eq3A_49 = vector.broadcast %broadcast_in_dim3A_48 : vector<1x2048xf32> to vector<1024x2048xf32>
    %eq3A_50 = arith.cmpf oeq, %select_n3A_45, %eq3A_49 : vector<1024x2048xf32>
    %jit3A_51 = arith.constant 1024 : i32
    %broadcast_in_dim3A_52 = vector.broadcast %jit3A_51 : i32 to vector<1024x2048xi32>
    %select_n3A_53 = arith.select %eq3A_50, %iota3A, %broadcast_in_dim3A_52 : vector<1024x2048xi1>, vector<1024x2048xi32>
    %reduce_min3A_54 = arith.constant dense<2147483647> : vector<2048xi32>
    %reduce_min3A_55 = vector.multi_reduction <minsi>, %select_n3A_53, %reduce_min3A_54 [0] : vector<1024x2048xi32> to vector<2048xi32>
    %broadcast_in_dim3A_56 = vector.shape_cast %reduce_min3A_55 : vector<2048xi32> to vector<1x2048xi32>
    %eq3A_57 = vector.broadcast %broadcast_in_dim3A_56 : vector<1x2048xi32> to vector<1024x2048xi32>
    %eq3A_58 = arith.cmpi eq, %iota3A, %eq3A_57 : vector<1024x2048xi32>
    %convert_element_type3A_59 = arith.extui %eq3A_58 : vector<1024x2048xi1> to vector<1024x2048xi32>
    %convert_element_type3A_60 = arith.sitofp %convert_element_type3A_59 : vector<1024x2048xi32> to vector<1024x2048xf32>
    %convert_element_type3A_61 = arith.truncf %convert_element_type3A_60 : vector<1024x2048xf32> to vector<1024x2048xbf16>
    %jit3A_62 = arith.constant 0x7F800000 : f32
    %broadcast_in_dim3A_63 = vector.broadcast %jit3A_62 : f32 to vector<1024x2048xf32>
    %select_n3A_64 = arith.select %eq3A_58, %broadcast_in_dim3A_63, %select_n3A_45 : vector<1024x2048xi1>, vector<1024x2048xf32>
    %reduce_min3A_65 = arith.constant dense<0x7F800000> : vector<2048xf32>
    %reduce_min3A_66 = vector.multi_reduction <minimumf>, %select_n3A_64, %reduce_min3A_65 [0] : vector<1024x2048xf32> to vector<2048xf32>
    %broadcast_in_dim3A_67 = vector.shape_cast %reduce_min3A_66 : vector<2048xf32> to vector<1x2048xf32>
    %eq3A_68 = vector.broadcast %broadcast_in_dim3A_67 : vector<1x2048xf32> to vector<1024x2048xf32>
    %eq3A_69 = arith.cmpf oeq, %select_n3A_64, %eq3A_68 : vector<1024x2048xf32>
    %jit3A_70 = arith.constant 1024 : i32
    %broadcast_in_dim3A_71 = vector.broadcast %jit3A_70 : i32 to vector<1024x2048xi32>
    %select_n3A_72 = arith.select %eq3A_69, %iota3A, %broadcast_in_dim3A_71 : vector<1024x2048xi1>, vector<1024x2048xi32>
    %reduce_min3A_73 = arith.constant dense<2147483647> : vector<2048xi32>
    %reduce_min3A_74 = vector.multi_reduction <minsi>, %select_n3A_72, %reduce_min3A_73 [0] : vector<1024x2048xi32> to vector<2048xi32>
    %broadcast_in_dim3A_75 = vector.shape_cast %reduce_min3A_74 : vector<2048xi32> to vector<1x2048xi32>
    %eq3A_76 = vector.broadcast %broadcast_in_dim3A_75 : vector<1x2048xi32> to vector<1024x2048xi32>
    %eq3A_77 = arith.cmpi eq, %iota3A, %eq3A_76 : vector<1024x2048xi32>
    %convert_element_type3A_78 = arith.extui %eq3A_77 : vector<1024x2048xi1> to vector<1024x2048xi32>
    %convert_element_type3A_79 = arith.sitofp %convert_element_type3A_78 : vector<1024x2048xi32> to vector<1024x2048xf32>
    %convert_element_type3A_80 = arith.truncf %convert_element_type3A_79 : vector<1024x2048xf32> to vector<1024x2048xbf16>
    %dot_general3A_81 = arith.constant dense<0.000000e+00> : vector<32x2048xf32>
    %dot_general3A_82 = tpu.matmul %convert_element_type3A_24, %convert_element_type3A_42, %dot_general3A_81 {dimension_numbers = #tpu.dot_dimension_numbers<[1], [0], [0], [1], [0, 0, 1, 1], [], []>, transpose_lhs_hint = false} : vector<32x1024xbf16>, vector<1024x2048xbf16>, vector<32x2048xf32> -> vector<32x2048xf32>
    %dot_general3A_83 = arith.constant dense<0.000000e+00> : vector<32x2048xf32>
    %dot_general3A_84 = tpu.matmul %convert_element_type3A_27, %convert_element_type3A_42, %dot_general3A_83 {dimension_numbers = #tpu.dot_dimension_numbers<[1], [0], [0], [1], [0, 0, 1, 1], [], []>, transpose_lhs_hint = false} : vector<32x1024xbf16>, vector<1024x2048xbf16>, vector<32x2048xf32> -> vector<32x2048xf32>
    %dot_general3A_85 = arith.constant dense<0.000000e+00> : vector<32x2048xf32>
    %dot_general3A_86 = tpu.matmul %convert_element_type3A_30, %convert_element_type3A_42, %dot_general3A_85 {dimension_numbers = #tpu.dot_dimension_numbers<[1], [0], [0], [1], [0, 0, 1, 1], [], []>, transpose_lhs_hint = false} : vector<32x1024xbf16>, vector<1024x2048xbf16>, vector<32x2048xf32> -> vector<32x2048xf32>
    %add3A_87 = arith.addf %dot_general3A_82, %dot_general3A_84 : vector<32x2048xf32>
    %add3A_88 = arith.addf %add3A_87, %dot_general3A_86 : vector<32x2048xf32>
    %sub3A_89 = arith.subf %get3A_1, %add3A_88 : vector<32x2048xf32>
    %mul3A_90 = arith.mulf %sub3A_89, %sub3A_89 : vector<32x2048xf32>
    %slice3A = vector.extract_strided_slice %mul3A_90 {offsets = [0, 0], sizes = [1, 2048], strides = [1, 1]} : vector<32x2048xf32> to vector<1x2048xf32>
    %slice3A_91 = vector.extract_strided_slice %mul3A_90 {offsets = [1, 0], sizes = [1, 2048], strides = [1, 1]} : vector<32x2048xf32> to vector<1x2048xf32>
    %slice3A_92 = vector.extract_strided_slice %mul3A_90 {offsets = [2, 0], sizes = [1, 2048], strides = [1, 1]} : vector<32x2048xf32> to vector<1x2048xf32>
    %slice3A_93 = vector.extract_strided_slice %mul3A_90 {offsets = [3, 0], sizes = [1, 2048], strides = [1, 1]} : vector<32x2048xf32> to vector<1x2048xf32>
    %slice3A_94 = vector.extract_strided_slice %mul3A_90 {offsets = [4, 0], sizes = [1, 2048], strides = [1, 1]} : vector<32x2048xf32> to vector<1x2048xf32>
    %slice3A_95 = vector.extract_strided_slice %mul3A_90 {offsets = [5, 0], sizes = [1, 2048], strides = [1, 1]} : vector<32x2048xf32> to vector<1x2048xf32>
    %slice3A_96 = vector.extract_strided_slice %mul3A_90 {offsets = [6, 0], sizes = [1, 2048], strides = [1, 1]} : vector<32x2048xf32> to vector<1x2048xf32>
    %slice3A_97 = vector.extract_strided_slice %mul3A_90 {offsets = [7, 0], sizes = [1, 2048], strides = [1, 1]} : vector<32x2048xf32> to vector<1x2048xf32>
    %add3A_98 = arith.addf %slice3A, %slice3A_94 : vector<1x2048xf32>
    %add3A_99 = arith.addf %slice3A_92, %slice3A_96 : vector<1x2048xf32>
    %add3A_100 = arith.addf %add3A_98, %add3A_99 : vector<1x2048xf32>
    %add3A_101 = arith.addf %slice3A_91, %slice3A_95 : vector<1x2048xf32>
    %add3A_102 = arith.addf %slice3A_93, %slice3A_97 : vector<1x2048xf32>
    %add3A_103 = arith.addf %add3A_101, %add3A_102 : vector<1x2048xf32>
    %add3A_104 = arith.addf %add3A_100, %add3A_103 : vector<1x2048xf32>
    %slice3A_105 = vector.extract_strided_slice %mul3A_90 {offsets = [8, 0], sizes = [1, 2048], strides = [1, 1]} : vector<32x2048xf32> to vector<1x2048xf32>
    %slice3A_106 = vector.extract_strided_slice %mul3A_90 {offsets = [9, 0], sizes = [1, 2048], strides = [1, 1]} : vector<32x2048xf32> to vector<1x2048xf32>
    %slice3A_107 = vector.extract_strided_slice %mul3A_90 {offsets = [10, 0], sizes = [1, 2048], strides = [1, 1]} : vector<32x2048xf32> to vector<1x2048xf32>
    %slice3A_108 = vector.extract_strided_slice %mul3A_90 {offsets = [11, 0], sizes = [1, 2048], strides = [1, 1]} : vector<32x2048xf32> to vector<1x2048xf32>
    %slice3A_109 = vector.extract_strided_slice %mul3A_90 {offsets = [12, 0], sizes = [1, 2048], strides = [1, 1]} : vector<32x2048xf32> to vector<1x2048xf32>
    %slice3A_110 = vector.extract_strided_slice %mul3A_90 {offsets = [13, 0], sizes = [1, 2048], strides = [1, 1]} : vector<32x2048xf32> to vector<1x2048xf32>
    %slice3A_111 = vector.extract_strided_slice %mul3A_90 {offsets = [14, 0], sizes = [1, 2048], strides = [1, 1]} : vector<32x2048xf32> to vector<1x2048xf32>
    %slice3A_112 = vector.extract_strided_slice %mul3A_90 {offsets = [15, 0], sizes = [1, 2048], strides = [1, 1]} : vector<32x2048xf32> to vector<1x2048xf32>
    %add3A_113 = arith.addf %slice3A_105, %slice3A_109 : vector<1x2048xf32>
    %add3A_114 = arith.addf %slice3A_107, %slice3A_111 : vector<1x2048xf32>
    %add3A_115 = arith.addf %add3A_113, %add3A_114 : vector<1x2048xf32>
    %add3A_116 = arith.addf %slice3A_106, %slice3A_110 : vector<1x2048xf32>
    %add3A_117 = arith.addf %slice3A_108, %slice3A_112 : vector<1x2048xf32>
    %add3A_118 = arith.addf %add3A_116, %add3A_117 : vector<1x2048xf32>
    %add3A_119 = arith.addf %add3A_115, %add3A_118 : vector<1x2048xf32>
    %add3A_120 = arith.addf %add3A_104, %add3A_119 : vector<1x2048xf32>
    %slice3A_121 = vector.extract_strided_slice %mul3A_90 {offsets = [16, 0], sizes = [1, 2048], strides = [1, 1]} : vector<32x2048xf32> to vector<1x2048xf32>
    %slice3A_122 = vector.extract_strided_slice %mul3A_90 {offsets = [17, 0], sizes = [1, 2048], strides = [1, 1]} : vector<32x2048xf32> to vector<1x2048xf32>
    %slice3A_123 = vector.extract_strided_slice %mul3A_90 {offsets = [18, 0], sizes = [1, 2048], strides = [1, 1]} : vector<32x2048xf32> to vector<1x2048xf32>
    %slice3A_124 = vector.extract_strided_slice %mul3A_90 {offsets = [19, 0], sizes = [1, 2048], strides = [1, 1]} : vector<32x2048xf32> to vector<1x2048xf32>
    %slice3A_125 = vector.extract_strided_slice %mul3A_90 {offsets = [20, 0], sizes = [1, 2048], strides = [1, 1]} : vector<32x2048xf32> to vector<1x2048xf32>
    %slice3A_126 = vector.extract_strided_slice %mul3A_90 {offsets = [21, 0], sizes = [1, 2048], strides = [1, 1]} : vector<32x2048xf32> to vector<1x2048xf32>
    %slice3A_127 = vector.extract_strided_slice %mul3A_90 {offsets = [22, 0], sizes = [1, 2048], strides = [1, 1]} : vector<32x2048xf32> to vector<1x2048xf32>
    %slice3A_128 = vector.extract_strided_slice %mul3A_90 {offsets = [23, 0], sizes = [1, 2048], strides = [1, 1]} : vector<32x2048xf32> to vector<1x2048xf32>
    %add3A_129 = arith.addf %slice3A_121, %slice3A_125 : vector<1x2048xf32>
    %add3A_130 = arith.addf %slice3A_123, %slice3A_127 : vector<1x2048xf32>
    %add3A_131 = arith.addf %add3A_129, %add3A_130 : vector<1x2048xf32>
    %add3A_132 = arith.addf %slice3A_122, %slice3A_126 : vector<1x2048xf32>
    %add3A_133 = arith.addf %slice3A_124, %slice3A_128 : vector<1x2048xf32>
    %add3A_134 = arith.addf %add3A_132, %add3A_133 : vector<1x2048xf32>
    %add3A_135 = arith.addf %add3A_131, %add3A_134 : vector<1x2048xf32>
    %add3A_136 = arith.addf %add3A_120, %add3A_135 : vector<1x2048xf32>
    %slice3A_137 = vector.extract_strided_slice %mul3A_90 {offsets = [24, 0], sizes = [1, 2048], strides = [1, 1]} : vector<32x2048xf32> to vector<1x2048xf32>
    %slice3A_138 = vector.extract_strided_slice %mul3A_90 {offsets = [25, 0], sizes = [1, 2048], strides = [1, 1]} : vector<32x2048xf32> to vector<1x2048xf32>
    %slice3A_139 = vector.extract_strided_slice %mul3A_90 {offsets = [26, 0], sizes = [1, 2048], strides = [1, 1]} : vector<32x2048xf32> to vector<1x2048xf32>
    %slice3A_140 = vector.extract_strided_slice %mul3A_90 {offsets = [27, 0], sizes = [1, 2048], strides = [1, 1]} : vector<32x2048xf32> to vector<1x2048xf32>
    %slice3A_141 = vector.extract_strided_slice %mul3A_90 {offsets = [28, 0], sizes = [1, 2048], strides = [1, 1]} : vector<32x2048xf32> to vector<1x2048xf32>
    %slice3A_142 = vector.extract_strided_slice %mul3A_90 {offsets = [29, 0], sizes = [1, 2048], strides = [1, 1]} : vector<32x2048xf32> to vector<1x2048xf32>
    %slice3A_143 = vector.extract_strided_slice %mul3A_90 {offsets = [30, 0], sizes = [1, 2048], strides = [1, 1]} : vector<32x2048xf32> to vector<1x2048xf32>
    %slice3A_144 = vector.extract_strided_slice %mul3A_90 {offsets = [31, 0], sizes = [1, 2048], strides = [1, 1]} : vector<32x2048xf32> to vector<1x2048xf32>
    %add3A_145 = arith.addf %slice3A_137, %slice3A_141 : vector<1x2048xf32>
    %add3A_146 = arith.addf %slice3A_139, %slice3A_143 : vector<1x2048xf32>
    %add3A_147 = arith.addf %add3A_145, %add3A_146 : vector<1x2048xf32>
    %add3A_148 = arith.addf %slice3A_138, %slice3A_142 : vector<1x2048xf32>
    %add3A_149 = arith.addf %slice3A_140, %slice3A_144 : vector<1x2048xf32>
    %add3A_150 = arith.addf %add3A_148, %add3A_149 : vector<1x2048xf32>
    %add3A_151 = arith.addf %add3A_147, %add3A_150 : vector<1x2048xf32>
    %add3A_152 = arith.addf %add3A_136, %add3A_151 : vector<1x2048xf32>
    %dot_general3A_153 = arith.constant dense<0.000000e+00> : vector<32x2048xf32>
    %dot_general3A_154 = tpu.matmul %convert_element_type3A_24, %convert_element_type3A_61, %dot_general3A_153 {dimension_numbers = #tpu.dot_dimension_numbers<[1], [0], [0], [1], [0, 0, 1, 1], [], []>, transpose_lhs_hint = false} : vector<32x1024xbf16>, vector<1024x2048xbf16>, vector<32x2048xf32> -> vector<32x2048xf32>
    %dot_general3A_155 = arith.constant dense<0.000000e+00> : vector<32x2048xf32>
    %dot_general3A_156 = tpu.matmul %convert_element_type3A_27, %convert_element_type3A_61, %dot_general3A_155 {dimension_numbers = #tpu.dot_dimension_numbers<[1], [0], [0], [1], [0, 0, 1, 1], [], []>, transpose_lhs_hint = false} : vector<32x1024xbf16>, vector<1024x2048xbf16>, vector<32x2048xf32> -> vector<32x2048xf32>
    %dot_general3A_157 = arith.constant dense<0.000000e+00> : vector<32x2048xf32>
    %dot_general3A_158 = tpu.matmul %convert_element_type3A_30, %convert_element_type3A_61, %dot_general3A_157 {dimension_numbers = #tpu.dot_dimension_numbers<[1], [0], [0], [1], [0, 0, 1, 1], [], []>, transpose_lhs_hint = false} : vector<32x1024xbf16>, vector<1024x2048xbf16>, vector<32x2048xf32> -> vector<32x2048xf32>
    %add3A_159 = arith.addf %dot_general3A_154, %dot_general3A_156 : vector<32x2048xf32>
    %add3A_160 = arith.addf %add3A_159, %dot_general3A_158 : vector<32x2048xf32>
    %sub3A_161 = arith.subf %get3A_1, %add3A_160 : vector<32x2048xf32>
    %mul3A_162 = arith.mulf %sub3A_161, %sub3A_161 : vector<32x2048xf32>
    %slice3A_163 = vector.extract_strided_slice %mul3A_162 {offsets = [0, 0], sizes = [1, 2048], strides = [1, 1]} : vector<32x2048xf32> to vector<1x2048xf32>
    %slice3A_164 = vector.extract_strided_slice %mul3A_162 {offsets = [1, 0], sizes = [1, 2048], strides = [1, 1]} : vector<32x2048xf32> to vector<1x2048xf32>
    %slice3A_165 = vector.extract_strided_slice %mul3A_162 {offsets = [2, 0], sizes = [1, 2048], strides = [1, 1]} : vector<32x2048xf32> to vector<1x2048xf32>
    %slice3A_166 = vector.extract_strided_slice %mul3A_162 {offsets = [3, 0], sizes = [1, 2048], strides = [1, 1]} : vector<32x2048xf32> to vector<1x2048xf32>
    %slice3A_167 = vector.extract_strided_slice %mul3A_162 {offsets = [4, 0], sizes = [1, 2048], strides = [1, 1]} : vector<32x2048xf32> to vector<1x2048xf32>
    %slice3A_168 = vector.extract_strided_slice %mul3A_162 {offsets = [5, 0], sizes = [1, 2048], strides = [1, 1]} : vector<32x2048xf32> to vector<1x2048xf32>
    %slice3A_169 = vector.extract_strided_slice %mul3A_162 {offsets = [6, 0], sizes = [1, 2048], strides = [1, 1]} : vector<32x2048xf32> to vector<1x2048xf32>
    %slice3A_170 = vector.extract_strided_slice %mul3A_162 {offsets = [7, 0], sizes = [1, 2048], strides = [1, 1]} : vector<32x2048xf32> to vector<1x2048xf32>
    %add3A_171 = arith.addf %slice3A_163, %slice3A_167 : vector<1x2048xf32>
    %add3A_172 = arith.addf %slice3A_165, %slice3A_169 : vector<1x2048xf32>
    %add3A_173 = arith.addf %add3A_171, %add3A_172 : vector<1x2048xf32>
    %add3A_174 = arith.addf %slice3A_164, %slice3A_168 : vector<1x2048xf32>
    %add3A_175 = arith.addf %slice3A_166, %slice3A_170 : vector<1x2048xf32>
    %add3A_176 = arith.addf %add3A_174, %add3A_175 : vector<1x2048xf32>
    %add3A_177 = arith.addf %add3A_173, %add3A_176 : vector<1x2048xf32>
    %slice3A_178 = vector.extract_strided_slice %mul3A_162 {offsets = [8, 0], sizes = [1, 2048], strides = [1, 1]} : vector<32x2048xf32> to vector<1x2048xf32>
    %slice3A_179 = vector.extract_strided_slice %mul3A_162 {offsets = [9, 0], sizes = [1, 2048], strides = [1, 1]} : vector<32x2048xf32> to vector<1x2048xf32>
    %slice3A_180 = vector.extract_strided_slice %mul3A_162 {offsets = [10, 0], sizes = [1, 2048], strides = [1, 1]} : vector<32x2048xf32> to vector<1x2048xf32>
    %slice3A_181 = vector.extract_strided_slice %mul3A_162 {offsets = [11, 0], sizes = [1, 2048], strides = [1, 1]} : vector<32x2048xf32> to vector<1x2048xf32>
    %slice3A_182 = vector.extract_strided_slice %mul3A_162 {offsets = [12, 0], sizes = [1, 2048], strides = [1, 1]} : vector<32x2048xf32> to vector<1x2048xf32>
    %slice3A_183 = vector.extract_strided_slice %mul3A_162 {offsets = [13, 0], sizes = [1, 2048], strides = [1, 1]} : vector<32x2048xf32> to vector<1x2048xf32>
    %slice3A_184 = vector.extract_strided_slice %mul3A_162 {offsets = [14, 0], sizes = [1, 2048], strides = [1, 1]} : vector<32x2048xf32> to vector<1x2048xf32>
    %slice3A_185 = vector.extract_strided_slice %mul3A_162 {offsets = [15, 0], sizes = [1, 2048], strides = [1, 1]} : vector<32x2048xf32> to vector<1x2048xf32>
    %add3A_186 = arith.addf %slice3A_178, %slice3A_182 : vector<1x2048xf32>
    %add3A_187 = arith.addf %slice3A_180, %slice3A_184 : vector<1x2048xf32>
    %add3A_188 = arith.addf %add3A_186, %add3A_187 : vector<1x2048xf32>
    %add3A_189 = arith.addf %slice3A_179, %slice3A_183 : vector<1x2048xf32>
    %add3A_190 = arith.addf %slice3A_181, %slice3A_185 : vector<1x2048xf32>
    %add3A_191 = arith.addf %add3A_189, %add3A_190 : vector<1x2048xf32>
    %add3A_192 = arith.addf %add3A_188, %add3A_191 : vector<1x2048xf32>
    %add3A_193 = arith.addf %add3A_177, %add3A_192 : vector<1x2048xf32>
    %slice3A_194 = vector.extract_strided_slice %mul3A_162 {offsets = [16, 0], sizes = [1, 2048], strides = [1, 1]} : vector<32x2048xf32> to vector<1x2048xf32>
    %slice3A_195 = vector.extract_strided_slice %mul3A_162 {offsets = [17, 0], sizes = [1, 2048], strides = [1, 1]} : vector<32x2048xf32> to vector<1x2048xf32>
    %slice3A_196 = vector.extract_strided_slice %mul3A_162 {offsets = [18, 0], sizes = [1, 2048], strides = [1, 1]} : vector<32x2048xf32> to vector<1x2048xf32>
    %slice3A_197 = vector.extract_strided_slice %mul3A_162 {offsets = [19, 0], sizes = [1, 2048], strides = [1, 1]} : vector<32x2048xf32> to vector<1x2048xf32>
    %slice3A_198 = vector.extract_strided_slice %mul3A_162 {offsets = [20, 0], sizes = [1, 2048], strides = [1, 1]} : vector<32x2048xf32> to vector<1x2048xf32>
    %slice3A_199 = vector.extract_strided_slice %mul3A_162 {offsets = [21, 0], sizes = [1, 2048], strides = [1, 1]} : vector<32x2048xf32> to vector<1x2048xf32>
    %slice3A_200 = vector.extract_strided_slice %mul3A_162 {offsets = [22, 0], sizes = [1, 2048], strides = [1, 1]} : vector<32x2048xf32> to vector<1x2048xf32>
    %slice3A_201 = vector.extract_strided_slice %mul3A_162 {offsets = [23, 0], sizes = [1, 2048], strides = [1, 1]} : vector<32x2048xf32> to vector<1x2048xf32>
    %add3A_202 = arith.addf %slice3A_194, %slice3A_198 : vector<1x2048xf32>
    %add3A_203 = arith.addf %slice3A_196, %slice3A_200 : vector<1x2048xf32>
    %add3A_204 = arith.addf %add3A_202, %add3A_203 : vector<1x2048xf32>
    %add3A_205 = arith.addf %slice3A_195, %slice3A_199 : vector<1x2048xf32>
    %add3A_206 = arith.addf %slice3A_197, %slice3A_201 : vector<1x2048xf32>
    %add3A_207 = arith.addf %add3A_205, %add3A_206 : vector<1x2048xf32>
    %add3A_208 = arith.addf %add3A_204, %add3A_207 : vector<1x2048xf32>
    %add3A_209 = arith.addf %add3A_193, %add3A_208 : vector<1x2048xf32>
    %slice3A_210 = vector.extract_strided_slice %mul3A_162 {offsets = [24, 0], sizes = [1, 2048], strides = [1, 1]} : vector<32x2048xf32> to vector<1x2048xf32>
    %slice3A_211 = vector.extract_strided_slice %mul3A_162 {offsets = [25, 0], sizes = [1, 2048], strides = [1, 1]} : vector<32x2048xf32> to vector<1x2048xf32>
    %slice3A_212 = vector.extract_strided_slice %mul3A_162 {offsets = [26, 0], sizes = [1, 2048], strides = [1, 1]} : vector<32x2048xf32> to vector<1x2048xf32>
    %slice3A_213 = vector.extract_strided_slice %mul3A_162 {offsets = [27, 0], sizes = [1, 2048], strides = [1, 1]} : vector<32x2048xf32> to vector<1x2048xf32>
    %slice3A_214 = vector.extract_strided_slice %mul3A_162 {offsets = [28, 0], sizes = [1, 2048], strides = [1, 1]} : vector<32x2048xf32> to vector<1x2048xf32>
    %slice3A_215 = vector.extract_strided_slice %mul3A_162 {offsets = [29, 0], sizes = [1, 2048], strides = [1, 1]} : vector<32x2048xf32> to vector<1x2048xf32>
    %slice3A_216 = vector.extract_strided_slice %mul3A_162 {offsets = [30, 0], sizes = [1, 2048], strides = [1, 1]} : vector<32x2048xf32> to vector<1x2048xf32>
    %slice3A_217 = vector.extract_strided_slice %mul3A_162 {offsets = [31, 0], sizes = [1, 2048], strides = [1, 1]} : vector<32x2048xf32> to vector<1x2048xf32>
    %add3A_218 = arith.addf %slice3A_210, %slice3A_214 : vector<1x2048xf32>
    %add3A_219 = arith.addf %slice3A_212, %slice3A_216 : vector<1x2048xf32>
    %add3A_220 = arith.addf %add3A_218, %add3A_219 : vector<1x2048xf32>
    %add3A_221 = arith.addf %slice3A_211, %slice3A_215 : vector<1x2048xf32>
    %add3A_222 = arith.addf %slice3A_213, %slice3A_217 : vector<1x2048xf32>
    %add3A_223 = arith.addf %add3A_221, %add3A_222 : vector<1x2048xf32>
    %add3A_224 = arith.addf %add3A_220, %add3A_223 : vector<1x2048xf32>
    %add3A_225 = arith.addf %add3A_209, %add3A_224 : vector<1x2048xf32>
    %lt3A = arith.cmpf olt, %add3A_225, %add3A_152 : vector<1x2048xf32>
    %eq3A_226 = arith.cmpf oeq, %add3A_225, %add3A_152 : vector<1x2048xf32>
    %lt3A_227 = arith.cmpi slt, %broadcast_in_dim3A_56, %broadcast_in_dim3A_37 : vector<1x2048xi32>
    %and3A = arith.andi %eq3A_226, %lt3A_227 : vector<1x2048xi1>
    %or3A = arith.ori %lt3A, %and3A : vector<1x2048xi1>
    %select_n3A_228 = arith.select %or3A, %add3A_225, %add3A_152 : vector<1x2048xi1>, vector<1x2048xf32>
    %select_n3A_229 = arith.select %or3A, %broadcast_in_dim3A_56, %broadcast_in_dim3A_37 : vector<1x2048xi1>, vector<1x2048xi32>
    %dot_general3A_230 = arith.constant dense<0.000000e+00> : vector<32x2048xf32>
    %dot_general3A_231 = tpu.matmul %convert_element_type3A_24, %convert_element_type3A_80, %dot_general3A_230 {dimension_numbers = #tpu.dot_dimension_numbers<[1], [0], [0], [1], [0, 0, 1, 1], [], []>, transpose_lhs_hint = false} : vector<32x1024xbf16>, vector<1024x2048xbf16>, vector<32x2048xf32> -> vector<32x2048xf32>
    %dot_general3A_232 = arith.constant dense<0.000000e+00> : vector<32x2048xf32>
    %dot_general3A_233 = tpu.matmul %convert_element_type3A_27, %convert_element_type3A_80, %dot_general3A_232 {dimension_numbers = #tpu.dot_dimension_numbers<[1], [0], [0], [1], [0, 0, 1, 1], [], []>, transpose_lhs_hint = false} : vector<32x1024xbf16>, vector<1024x2048xbf16>, vector<32x2048xf32> -> vector<32x2048xf32>
    %dot_general3A_234 = arith.constant dense<0.000000e+00> : vector<32x2048xf32>
    %dot_general3A_235 = tpu.matmul %convert_element_type3A_30, %convert_element_type3A_80, %dot_general3A_234 {dimension_numbers = #tpu.dot_dimension_numbers<[1], [0], [0], [1], [0, 0, 1, 1], [], []>, transpose_lhs_hint = false} : vector<32x1024xbf16>, vector<1024x2048xbf16>, vector<32x2048xf32> -> vector<32x2048xf32>
    %add3A_236 = arith.addf %dot_general3A_231, %dot_general3A_233 : vector<32x2048xf32>
    %add3A_237 = arith.addf %add3A_236, %dot_general3A_235 : vector<32x2048xf32>
    %sub3A_238 = arith.subf %get3A_1, %add3A_237 : vector<32x2048xf32>
    %mul3A_239 = arith.mulf %sub3A_238, %sub3A_238 : vector<32x2048xf32>
    %slice3A_240 = vector.extract_strided_slice %mul3A_239 {offsets = [0, 0], sizes = [1, 2048], strides = [1, 1]} : vector<32x2048xf32> to vector<1x2048xf32>
    %slice3A_241 = vector.extract_strided_slice %mul3A_239 {offsets = [1, 0], sizes = [1, 2048], strides = [1, 1]} : vector<32x2048xf32> to vector<1x2048xf32>
    %slice3A_242 = vector.extract_strided_slice %mul3A_239 {offsets = [2, 0], sizes = [1, 2048], strides = [1, 1]} : vector<32x2048xf32> to vector<1x2048xf32>
    %slice3A_243 = vector.extract_strided_slice %mul3A_239 {offsets = [3, 0], sizes = [1, 2048], strides = [1, 1]} : vector<32x2048xf32> to vector<1x2048xf32>
    %slice3A_244 = vector.extract_strided_slice %mul3A_239 {offsets = [4, 0], sizes = [1, 2048], strides = [1, 1]} : vector<32x2048xf32> to vector<1x2048xf32>
    %slice3A_245 = vector.extract_strided_slice %mul3A_239 {offsets = [5, 0], sizes = [1, 2048], strides = [1, 1]} : vector<32x2048xf32> to vector<1x2048xf32>
    %slice3A_246 = vector.extract_strided_slice %mul3A_239 {offsets = [6, 0], sizes = [1, 2048], strides = [1, 1]} : vector<32x2048xf32> to vector<1x2048xf32>
    %slice3A_247 = vector.extract_strided_slice %mul3A_239 {offsets = [7, 0], sizes = [1, 2048], strides = [1, 1]} : vector<32x2048xf32> to vector<1x2048xf32>
    %add3A_248 = arith.addf %slice3A_240, %slice3A_244 : vector<1x2048xf32>
    %add3A_249 = arith.addf %slice3A_242, %slice3A_246 : vector<1x2048xf32>
    %add3A_250 = arith.addf %add3A_248, %add3A_249 : vector<1x2048xf32>
    %add3A_251 = arith.addf %slice3A_241, %slice3A_245 : vector<1x2048xf32>
    %add3A_252 = arith.addf %slice3A_243, %slice3A_247 : vector<1x2048xf32>
    %add3A_253 = arith.addf %add3A_251, %add3A_252 : vector<1x2048xf32>
    %add3A_254 = arith.addf %add3A_250, %add3A_253 : vector<1x2048xf32>
    %slice3A_255 = vector.extract_strided_slice %mul3A_239 {offsets = [8, 0], sizes = [1, 2048], strides = [1, 1]} : vector<32x2048xf32> to vector<1x2048xf32>
    %slice3A_256 = vector.extract_strided_slice %mul3A_239 {offsets = [9, 0], sizes = [1, 2048], strides = [1, 1]} : vector<32x2048xf32> to vector<1x2048xf32>
    %slice3A_257 = vector.extract_strided_slice %mul3A_239 {offsets = [10, 0], sizes = [1, 2048], strides = [1, 1]} : vector<32x2048xf32> to vector<1x2048xf32>
    %slice3A_258 = vector.extract_strided_slice %mul3A_239 {offsets = [11, 0], sizes = [1, 2048], strides = [1, 1]} : vector<32x2048xf32> to vector<1x2048xf32>
    %slice3A_259 = vector.extract_strided_slice %mul3A_239 {offsets = [12, 0], sizes = [1, 2048], strides = [1, 1]} : vector<32x2048xf32> to vector<1x2048xf32>
    %slice3A_260 = vector.extract_strided_slice %mul3A_239 {offsets = [13, 0], sizes = [1, 2048], strides = [1, 1]} : vector<32x2048xf32> to vector<1x2048xf32>
    %slice3A_261 = vector.extract_strided_slice %mul3A_239 {offsets = [14, 0], sizes = [1, 2048], strides = [1, 1]} : vector<32x2048xf32> to vector<1x2048xf32>
    %slice3A_262 = vector.extract_strided_slice %mul3A_239 {offsets = [15, 0], sizes = [1, 2048], strides = [1, 1]} : vector<32x2048xf32> to vector<1x2048xf32>
    %add3A_263 = arith.addf %slice3A_255, %slice3A_259 : vector<1x2048xf32>
    %add3A_264 = arith.addf %slice3A_257, %slice3A_261 : vector<1x2048xf32>
    %add3A_265 = arith.addf %add3A_263, %add3A_264 : vector<1x2048xf32>
    %add3A_266 = arith.addf %slice3A_256, %slice3A_260 : vector<1x2048xf32>
    %add3A_267 = arith.addf %slice3A_258, %slice3A_262 : vector<1x2048xf32>
    %add3A_268 = arith.addf %add3A_266, %add3A_267 : vector<1x2048xf32>
    %add3A_269 = arith.addf %add3A_265, %add3A_268 : vector<1x2048xf32>
    %add3A_270 = arith.addf %add3A_254, %add3A_269 : vector<1x2048xf32>
    %slice3A_271 = vector.extract_strided_slice %mul3A_239 {offsets = [16, 0], sizes = [1, 2048], strides = [1, 1]} : vector<32x2048xf32> to vector<1x2048xf32>
    %slice3A_272 = vector.extract_strided_slice %mul3A_239 {offsets = [17, 0], sizes = [1, 2048], strides = [1, 1]} : vector<32x2048xf32> to vector<1x2048xf32>
    %slice3A_273 = vector.extract_strided_slice %mul3A_239 {offsets = [18, 0], sizes = [1, 2048], strides = [1, 1]} : vector<32x2048xf32> to vector<1x2048xf32>
    %slice3A_274 = vector.extract_strided_slice %mul3A_239 {offsets = [19, 0], sizes = [1, 2048], strides = [1, 1]} : vector<32x2048xf32> to vector<1x2048xf32>
    %slice3A_275 = vector.extract_strided_slice %mul3A_239 {offsets = [20, 0], sizes = [1, 2048], strides = [1, 1]} : vector<32x2048xf32> to vector<1x2048xf32>
    %slice3A_276 = vector.extract_strided_slice %mul3A_239 {offsets = [21, 0], sizes = [1, 2048], strides = [1, 1]} : vector<32x2048xf32> to vector<1x2048xf32>
    %slice3A_277 = vector.extract_strided_slice %mul3A_239 {offsets = [22, 0], sizes = [1, 2048], strides = [1, 1]} : vector<32x2048xf32> to vector<1x2048xf32>
    %slice3A_278 = vector.extract_strided_slice %mul3A_239 {offsets = [23, 0], sizes = [1, 2048], strides = [1, 1]} : vector<32x2048xf32> to vector<1x2048xf32>
    %add3A_279 = arith.addf %slice3A_271, %slice3A_275 : vector<1x2048xf32>
    %add3A_280 = arith.addf %slice3A_273, %slice3A_277 : vector<1x2048xf32>
    %add3A_281 = arith.addf %add3A_279, %add3A_280 : vector<1x2048xf32>
    %add3A_282 = arith.addf %slice3A_272, %slice3A_276 : vector<1x2048xf32>
    %add3A_283 = arith.addf %slice3A_274, %slice3A_278 : vector<1x2048xf32>
    %add3A_284 = arith.addf %add3A_282, %add3A_283 : vector<1x2048xf32>
    %add3A_285 = arith.addf %add3A_281, %add3A_284 : vector<1x2048xf32>
    %add3A_286 = arith.addf %add3A_270, %add3A_285 : vector<1x2048xf32>
    %slice3A_287 = vector.extract_strided_slice %mul3A_239 {offsets = [24, 0], sizes = [1, 2048], strides = [1, 1]} : vector<32x2048xf32> to vector<1x2048xf32>
    %slice3A_288 = vector.extract_strided_slice %mul3A_239 {offsets = [25, 0], sizes = [1, 2048], strides = [1, 1]} : vector<32x2048xf32> to vector<1x2048xf32>
    %slice3A_289 = vector.extract_strided_slice %mul3A_239 {offsets = [26, 0], sizes = [1, 2048], strides = [1, 1]} : vector<32x2048xf32> to vector<1x2048xf32>
    %slice3A_290 = vector.extract_strided_slice %mul3A_239 {offsets = [27, 0], sizes = [1, 2048], strides = [1, 1]} : vector<32x2048xf32> to vector<1x2048xf32>
    %slice3A_291 = vector.extract_strided_slice %mul3A_239 {offsets = [28, 0], sizes = [1, 2048], strides = [1, 1]} : vector<32x2048xf32> to vector<1x2048xf32>
    %slice3A_292 = vector.extract_strided_slice %mul3A_239 {offsets = [29, 0], sizes = [1, 2048], strides = [1, 1]} : vector<32x2048xf32> to vector<1x2048xf32>
    %slice3A_293 = vector.extract_strided_slice %mul3A_239 {offsets = [30, 0], sizes = [1, 2048], strides = [1, 1]} : vector<32x2048xf32> to vector<1x2048xf32>
    %slice3A_294 = vector.extract_strided_slice %mul3A_239 {offsets = [31, 0], sizes = [1, 2048], strides = [1, 1]} : vector<32x2048xf32> to vector<1x2048xf32>
    %add3A_295 = arith.addf %slice3A_287, %slice3A_291 : vector<1x2048xf32>
    %add3A_296 = arith.addf %slice3A_289, %slice3A_293 : vector<1x2048xf32>
    %add3A_297 = arith.addf %add3A_295, %add3A_296 : vector<1x2048xf32>
    %add3A_298 = arith.addf %slice3A_288, %slice3A_292 : vector<1x2048xf32>
    %add3A_299 = arith.addf %slice3A_290, %slice3A_294 : vector<1x2048xf32>
    %add3A_300 = arith.addf %add3A_298, %add3A_299 : vector<1x2048xf32>
    %add3A_301 = arith.addf %add3A_297, %add3A_300 : vector<1x2048xf32>
    %add3A_302 = arith.addf %add3A_286, %add3A_301 : vector<1x2048xf32>
    %lt3A_303 = arith.cmpf olt, %add3A_302, %select_n3A_228 : vector<1x2048xf32>
    %eq3A_304 = arith.cmpf oeq, %add3A_302, %select_n3A_228 : vector<1x2048xf32>
    %lt3A_305 = arith.cmpi slt, %broadcast_in_dim3A_75, %select_n3A_229 : vector<1x2048xi32>
    %and3A_306 = arith.andi %eq3A_304, %lt3A_305 : vector<1x2048xi1>
    %or3A_307 = arith.ori %lt3A_303, %and3A_306 : vector<1x2048xi1>
    %select_n3A_308 = arith.select %or3A_307, %broadcast_in_dim3A_75, %select_n3A_229 : vector<1x2048xi1>, vector<1x2048xi32>
    %swap3A = arith.constant 0 : index
    %swap3A_309 = arith.constant 0 : index
    %swap3A_310 = vector.load %arg4[%swap3A, %swap3A_309] : memref<1x2048xi32, #tpu.memory_space<vmem>>, vector<1x2048xi32>
    tpu.vector_store %arg4[%swap3A, %swap3A_309], %select_n3A_308 {strides = array<i32>} : memref<1x2048xi32, #tpu.memory_space<vmem>>, vector<1x2048xi32>,
    %sub3A_311 = vector.broadcast %broadcast_in_dim3A_32 : vector<1x2048xf32> to vector<1024x2048xf32>
    %sub3A_312 = arith.subf %sub3A_311, %sub3A_23 : vector<1024x2048xf32>
    %exp3A = math.exp %sub3A_312 : vector<1024x2048xf32>
    %reduce_sum3A_313 = arith.constant dense<0.000000e+00> : vector<2048xf32>
    %reduce_sum3A_314 = vector.multi_reduction <add>, %exp3A, %reduce_sum3A_313 [0] : vector<1024x2048xf32> to vector<2048xf32>
    %broadcast_in_dim3A_315 = vector.shape_cast %reduce_sum3A_314 : vector<2048xf32> to vector<1x2048xf32>
    %mul3A_316 = arith.mulf %exp3A, %sub3A_23 : vector<1024x2048xf32>
    %reduce_sum3A_317 = arith.constant dense<0.000000e+00> : vector<2048xf32>
    %reduce_sum3A_318 = vector.multi_reduction <add>, %mul3A_316, %reduce_sum3A_317 [0] : vector<1024x2048xf32> to vector<2048xf32>
    %broadcast_in_dim3A_319 = vector.shape_cast %reduce_sum3A_318 : vector<2048xf32> to vector<1x2048xf32>
    %mul3A_320 = arith.mulf %get3A_1, %get3A_1 : vector<32x2048xf32>
    %reduce_sum3A_321 = arith.constant dense<0.000000e+00> : vector<2048xf32>
    %reduce_sum3A_322 = vector.multi_reduction <add>, %mul3A_320, %reduce_sum3A_321 [0] : vector<32x2048xf32> to vector<2048xf32>
    %broadcast_in_dim3A_323 = vector.shape_cast %reduce_sum3A_322 : vector<2048xf32> to vector<1x2048xf32>
    %div3A = arith.divf %broadcast_in_dim3A_319, %broadcast_in_dim3A_315 : vector<1x2048xf32>
    %add3A_324 = arith.addf %div3A, %broadcast_in_dim3A_323 : vector<1x2048xf32>
    %reduce_sum3A_325 = vector.shape_cast %add3A_324 : vector<1x2048xf32> to vector<1x1x2048xf32>
    %reduce_sum3A_326 = arith.constant dense<0.000000e+00> : vector<1xf32>
    %reduce_sum3A_327 = vector.multi_reduction <add>, %reduce_sum3A_325, %reduce_sum3A_326 [1, 2] : vector<1x1x2048xf32> to vector<1xf32>
    %reduce_sum3A_328 = vector.shape_cast %reduce_sum3A_327 : vector<1xf32> to vector<1x1x1xf32>
    %reduce_sum3A_329 = vector.extract %reduce_sum3A_328[0, 0, 0] : f32 from vector<1x1x1xf32>
    %eq3A_330 = arith.constant 0 : i32
    %eq3A_331 = arith.cmpi eq, %arg0, %eq3A_330 : i32
    %convert_element_type3A_332 = arith.extui %eq3A_331 : i1 to i32
    %cond3A = arith.constant 0 : i32
    %cond3A_333 = arith.cmpi ne, %convert_element_type3A_332, %cond3A : i32
    scf.if %cond3A_333 {
      %broadcast_in_dim3A_341 = arith.constant 0.000000e+00 : f32
      %broadcast_in_dim3A_342 = vector.broadcast %broadcast_in_dim3A_341 : f32 to vector<1x1xf32>
      %swap3A_343 = arith.constant 0 : index
      %swap3A_344 = arith.constant 0 : index
      %swap3A_345 = vector.load %arg5[%swap3A_343, %swap3A_344] : memref<1x1xf32, #tpu.memory_space<vmem>>, vector<1x1xf32>
      tpu.vector_store %arg5[%swap3A_343, %swap3A_344], %broadcast_in_dim3A_342 {strides = array<i32>} : memref<1x1xf32, #tpu.memory_space<vmem>>, vector<1x1xf32>,
    } else {
    }
    %get3A_334 = arith.constant 0 : index
    %get3A_335 = arith.constant 0 : index
    %get3A_336 = vector.load %arg5[%get3A_334, %get3A_335] : memref<1x1xf32, #tpu.memory_space<vmem>>, vector<1x1xf32>
    %reshape3A = vector.broadcast %reduce_sum3A_329 : f32 to vector<1x1xf32>
    %add3A_337 = arith.addf %get3A_336, %reshape3A : vector<1x1xf32>
    %swap3A_338 = arith.constant 0 : index
    %swap3A_339 = arith.constant 0 : index
    %swap3A_340 = vector.load %arg5[%swap3A_338, %swap3A_339] : memref<1x1xf32, #tpu.memory_space<vmem>>, vector<1x1xf32>
    tpu.vector_store %arg5[%swap3A_338, %swap3A_339], %add3A_337 {strides = array<i32>} : memref<1x1xf32, #tpu.memory_space<vmem>>, vector<1x1xf32>,
    return
  }
  func.func @transform_0(%arg0: i32) -> (i32, i32) {
    %c0_i32 = arith.constant 0 : i32
    %c0_i32_0 = arith.constant 0 : i32
    return %c0_i32, %arg0 : i32, i32
  }
  func.func @transform_1(%arg0: i32) -> (i32, i32) {
    %c0_i32 = arith.constant 0 : i32
    %c0_i32_0 = arith.constant 0 : i32
    %c0_i32_1 = arith.constant 0 : i32
    return %c0_i32, %c0_i32_0 : i32, i32
  }
  func.func @transform_2(%arg0: i32) -> (i32, i32) {
    %c0_i32 = arith.constant 0 : i32
    %c0_i32_0 = arith.constant 0 : i32
    %c0_i32_1 = arith.constant 0 : i32
    return %c0_i32, %c0_i32_0 : i32, i32
  }
  func.func @transform_3(%arg0: i32) -> (i32, i32) {
    %c0_i32 = arith.constant 0 : i32
    %c0_i32_0 = arith.constant 0 : i32
    return %c0_i32, %arg0 : i32, i32
  }
  func.func @transform_4(%arg0: i32) -> (i32, i32) {
    %c0_i32 = arith.constant 0 : i32
    %c0_i32_0 = arith.constant 0 : i32
    %c0_i32_1 = arith.constant 0 : i32
    return %c0_i32, %c0_i32_0 : i32, i32
  }
}

</mosaic_0001>

<sc_bundles>
// kernel: kernel.4.cloned.1.call-start
scs
__scs_entry_jumppad:
0x0: {  	(pc) =	sbr.rel $0x88, $3  }
0x1: {  	(tag) =	ssettag $0x0;
	lr =	simm.s32 $0x1  }
0x2: {  	[smem:$0x3F9F] =	sst lr;
	_ =	strace $0xD0000000  }
0x3: {  	_ = 	snop  }
0x4: {  	_ = 	snop  }
0x5: {  	_ = 	snop  }
0x6: {  	_ = 	snop  }
0x7: {  	_ = 	snop  }
__scs_overlays_trampoline_lowered:
0x8: {  	[smem:$0x3FAE] =	sst s0  }
0x9: {  	[smem:$0x3FAF] =	sst s1  }
0xa: {  	[smem:$0x3FB0] =	sst s2  }
0xb: {  	[smem:$0x3FB1] =	sst s3  }
0xc: {  	[smem:$0x3FB2] =	sst s4  }
0xd: {  	[smem:$0x3FB3] =	sst s5  }
0xe: {  	[smem:$0x3FB4] =	sst s6  }
0xf: {  	[smem:$0x3FB5] =	sst s7  }
0x10: {  	[smem:$0x3FB6] =	sst s8  }
0x11: {  	[smem:$0x3FB7] =	sst s9;
	s0 =	simm.s32 @!p0 $0x0  }
0x12: {  	s1 =	sld [smem:$0x3F9D];
	s0 =	simm.s32 @p0 $0x1  }
0x13: {  	[smem:$0x3FB8] =	sst s0;
	s0 =	simm.s32 @!p1 $0x0  }
0x14: {  	s2 =	sld [smem:$0x3F9C];
	s0 =	simm.s32 @p1 $0x1  }
0x15: {  	[smem:$0x3FB9] =	sst s0;
	s0 =	simm.s32 @!p2 $0x0  }
0x16: {  	s3 =	sld [smem:$0x3FDB];
	s0 =	simm.s32 @p2 $0x1  }
0x17: {  	s4 =	simm.s32 $0x1BF5;
	[smem:$0x3FBB] =	sst s0  }
0x18: {  	s0 =	sld [smem:$0x3F9E];
	_ =	swait.ge [sflag:s4], $0x0  }
0x19: {  	s7 =	sld [smem:$0x3F9F]  }
0x1a: {  	s8 =	sadd.s32 $0xFFFFE003, lr  }
0x1b: {  	s9 =	sadd.s32 $0xFFFFFEF7, lr;
	s5 =	simm.s32 $0xFFFFFFFF;
	p2 =	slt.u32 s8, $0xFFFFF086  }
0x1c: {  	p1 =	slt.u32 s9, $0xF7A;
	s5 =	simm.s32 @!p2 $0x0  }
0x1d: {  	s5 =	simm.s32 @p1 $0x1;
	p0 =	seq.s32 s7, s2  }
0x1e: {  	s7 =	smul.u32 @!p0 $0xF7A, s2;
	p2 =	seq.s32 @!p0 s5, $0x0  }
0x1f: {  	s9 =	smul.u32 $0xF7A, s1;
	s8 =	simm.s32 @!p0 $0x1BF5;
	p2 =	por !p2, p0  }
0x20: {  	[sflag:s8] =	ssyncset.s32 @!p0 $0xFFFFF086;
	s6 =	sadd.s32 @!p0 s3, s7;
	s7 =	simm.s32 @!p0 $0x108  }
0x21: {  	s3 =	sadd.s32 s3, s9;
	s6 =	sadd.s32 @!p0 $0x88, s6;
	s7 =	simm.s32 @p2 $0x1082  }
0x22: {  	[simem:s7], [sflag:s8] =	dma.local @!p0 [hbm:s6], $0xF7A  }
0x23: {  	s9 =	sor.u32 $0xD0000000, s2;
	s6 =	simm.s32 $0x108;
	_ =	swait.ge @!p0 [sflag:s8], $0x0  }
0x24: {  	s3 =	sadd.s32 $0x88, s3;
	s6 =	simm.s32 @!p1 $0x1082;
	[sflag:s4] =	ssyncset.s32 $0xFFFFF086  }
0x25: {  	[simem:s6], [sflag:s4] =	dma.local [hbm:s3], $0xF7A  }
0x26: {  	[smem:$0x3F9F] =	sst s1;
	(tag) =	ssettag s2;
	_ =	strace s9  }
0x27: {  	s1 =	sld [smem:$0x3FAF]  }
0x28: {  	s2 =	sld [smem:$0x3FB0]  }
0x29: {  	s4 =	sld [smem:$0x3FB2]  }
0x2a: {  	p0 =	seq.s32 s5, $0x0;
	s5 =	sld [smem:$0x3FB3]  }
0x2b: {  	s6 =	sld [smem:$0x3FB4]  }
0x2c: {  	s7 =	sld [smem:$0x3FB5]  }
0x2d: {  	s3 =	simm.s32 $0x108;
	s8 =	sld [smem:$0x3FB6]  }
0x2e: {  	s3 =	simm.s32 @!p0 $0x1082;
	s9 =	sld [smem:$0x3FB7]  }
0x2f: {  	lr =	sadd.s32 s0, s3;
	s0 =	sld [smem:$0x3FAE]  }
0x30: {  	s3 =	sld [smem:$0x3FB1]  }
0x31: {  	[smem:$0x3FBA] =	sst s10  }
0x32: {  	s10 =	sld [smem:$0x3FB8];
	_ =	sdelay $0x3  }
0x33: {  	p0 =	seq.s32 s10, $0x1;
	s10 =	sld [smem:$0x3FBA];
	_ =	sdelay $0x3  }
0x34: {  	[smem:$0x3FBA] =	sst s10  }
0x35: {  	s10 =	sld [smem:$0x3FB9];
	_ =	sdelay $0x3  }
0x36: {  	p1 =	seq.s32 s10, $0x1;
	s10 =	sld [smem:$0x3FBA];
	_ =	sdelay $0x3  }
0x37: {  	[smem:$0x3FBA] =	sst s10  }
0x38: {  	s10 =	sld [smem:$0x3FBB]  }
0x39: {  	_ = 	snop;
	(pc) =	sbr.ind lr, $3  }
0x3a: {  	_ = 	snop  }
0x3b: {  	_ = 	snop  }
0x3c: {  	p2 =	seq.s32 s10, $0x1;
	s10 =	sld [smem:$0x3FBA]  }
0x3d: {  	_ =	shalt  }
0x3e: {  	_ =	shalt  }
0x3f: {  	_ =	shalt  }
0x40: {  	_ =	shalt  }
0x41: {  	_ =	shalt  }
0x42: {  	_ =	shalt  }
0x43: {  	_ =	shalt  }
0x44: {  	_ =	shalt  }
0x45: {  	_ =	shalt  }
0x46: {  	_ =	shalt  }
0x47: {  	_ =	shalt  }
0x48: {  	_ =	shalt  }
0x49: {  	_ =	shalt  }
0x4a: {  	_ =	shalt  }
0x4b: {  	_ =	shalt  }
0x4c: {  	_ =	shalt  }
0x4d: {  	_ =	shalt  }
0x4e: {  	_ =	shalt  }
0x4f: {  	_ =	shalt  }
0x50: {  	_ =	shalt  }
0x51: {  	_ =	shalt  }
0x52: {  	_ =	shalt  }
0x53: {  	_ =	shalt  }
0x54: {  	_ =	shalt  }
0x55: {  	_ =	shalt  }
0x56: {  	_ =	shalt  }
0x57: {  	_ =	shalt  }
0x58: {  	_ =	shalt  }
0x59: {  	_ =	shalt  }
0x5a: {  	_ =	shalt  }
0x5b: {  	_ =	shalt  }
0x5c: {  	_ =	shalt  }
0x5d: {  	_ =	shalt  }
0x5e: {  	_ =	shalt  }
0x5f: {  	_ =	shalt  }
0x60: {  	_ =	shalt  }
0x61: {  	_ =	shalt  }
0x62: {  	_ =	shalt  }
0x63: {  	_ =	shalt  }
0x64: {  	_ =	shalt  }
0x65: {  	_ =	shalt  }
0x66: {  	_ =	shalt  }
0x67: {  	_ =	shalt  }
0x68: {  	_ =	shalt  }
0x69: {  	_ =	shalt  }
0x6a: {  	_ =	shalt  }
0x6b: {  	_ =	shalt  }
0x6c: {  	_ =	shalt  }
0x6d: {  	_ =	shalt  }
0x6e: {  	_ =	shalt  }
0x6f: {  	_ =	shalt  }
0x70: {  	_ =	shalt  }
0x71: {  	_ =	shalt  }
0x72: {  	_ =	shalt  }
0x73: {  	_ =	shalt  }
0x74: {  	_ =	shalt  }
0x75: {  	_ =	shalt  }
0x76: {  	_ =	shalt  }
0x77: {  	_ =	shalt  }
0x78: {  	_ =	shalt  }
0x79: {  	_ =	shalt  }
0x7a: {  	_ =	shalt  }
0x7b: {  	_ =	shalt  }
0x7c: {  	_ =	shalt  }
0x7d: {  	_ =	shalt  }
0x7e: {  	_ =	shalt  }
0x7f: {  	_ =	shalt  }
0x80: {  	_ =	shalt  }
0x81: {  	_ =	shalt  }
0x82: {  	_ =	shalt  }
0x83: {  	_ =	shalt  }
0x84: {  	_ =	shalt  }
0x85: {  	_ =	shalt  }
0x86: {  	_ =	shalt  }
0x87: {  	_ =	shalt  }
.Lfunc_end0:
.L_simem_size_0:
called_computation_lowered:
.L_overlay_start_0:
0x88: {  	s2 =	sld [smem:$0x3FD9]  }
0x89: {  	s3 =	sld [smem:$0x3FFE];
	_ =	sdelay $0x1  }
0x8a: {  	s1 =	srdreg.scid  }
0x8b: {  	s0 =	sand.u32 $0x1, s1  }
0x8c: {  	s14 =	sshll.u32 s0, $0xA;
	s2 =	sadd.s32 s3, s2  }
0x8d: {  	s2 =	sadd.s32 s2, s14  }
0x8e: {  	[smem:$0x3FC6] =	sst s2  }
0x8f: {  	_ = 	snop  }
0x90: {  	s2 =	sld [smem:$0x3FD0];
	_ =	sdelay $0x2  }
0x91: {  	s15 =	simm.s32 $0xA;
	s4 =	simm.s32 $0x10  }
0x92: {  	[smem:s4], [sflag:s15] =	dma.local [hbm:s2], $0x1  }
0x93: {  	_ =	swait.eq [sflag:s15], $0x1  }
0x94: {  	[sflag:s15] =	ssyncset.done $0x0  }
0x95: {  	s16 =	sld [smem:$0x10];
	[sflag:s15] =	ssyncadd.s32 $0xFFFFFFFF  }
0x96: {  	s17 =	sld [smem:$0x11];
	(tm) =	ssettm $0x1  }
0x97: {  	s18 =	sld [smem:$0x3FFB];
	_ =	sdelay $0x3  }
0x98: {  	_ =	strace s18  }
0x99: {  	s4 =	sld [smem:$0x3FFC];
	_ =	sdelay $0x3  }
0x9a: {  	_ =	strace s4  }
0x9b: {  	s4 =	sld [smem:$0x3FFD];
	_ =	sdelay $0x3  }
0x9c: {  	_ =	strace s4  }
0x9d: {  	_ =	strace $0x8FFFFFFF  }
0x9e: {  	s19 =	sld [smem:$0x3FDB];
	_ =	sdelay $0x1  }
0x9f: {  	s5 =	simm.s32 $_scs_section_size  }
0xa0: {  	s6 =	simm.s32 $_size__tile_overlayer_lowered;
	s7 =	simm.s32 $_tile_overlayer_lowered  }
0xa1: {  	s22 =	simm.s32 $0x1BFF;
	s21 =	sshll.u32 s7, $0x1;
	s4 =	sadd.s32 s5, s19  }
0xa2: {  	s8 =	simm.s32 $0x0;
	s20 =	sshll.u32 s6, $0x1;
	s6 =	sadd.s32 s21, s4  }
0xa3: {  	[timem:s8], [sflag:s22] =	dma.local [hbm:s6], s20  }
0xa4: {  	_ =	swait.ge [sflag:s22], s20  }
0xa5: {  	s5 =	ssub.s32 $0x0, s20;
	[sflag:s22] =	ssyncset.done $0x0  }
0xa6: {  	[sflag:s22] =	ssyncadd.s32 s5;
	_ =	sdelay $0x1  }
0xa7: {  	s23 =	simm.s32 $0x1B8B  }
0xa8: {  	_ =	swait.ge [sflag:s23], $0x1  }
0xa9: {  	[sflag:s23] =	ssyncset.done $0x0  }
0xaa: {  	s25 =	simm.s32 $0x1B8E;
	s24 =	sld [smem:$0x3FFE];
	[sflag:s23] =	ssyncadd.s32 $0xFFFFFFFF  }
0xab: {  	s26 =	simm.s32 $execute0_lowered;
	[smem:$0x3FD2] =	sst s25  }
0xac: {  	s6 =	sshll.u32 s26, $0x1;
	_ =	strace $0x80000046;
	[dreg:$0x1] =	wrdreg $0xFFFFFFFF  }
0xad: {  	s28 =	simm.s32 $_size_execute0_lowered;
	s4 =	sadd.s32 s4, s6;
	[dreg:$0x0] =	wrdreg $0x0  }
0xae: {  	s6 =	sshll.u32 s28, $0x1;
	[dreg:$0x2] =	wrdreg s4  }
0xaf: {  	[dreg:$0x3] =	wrdreg s6  }
0xb0: {  	[dreg:$0x4] =	wrdreg $0xC0  }
0xb1: {  	_ =	task [dreg:s8], $0x5FFFF  }
0xb2: {  	[dreg:$0x1] =	wrdreg $0xFFFFFFFF  }
0xb3: {  	[dreg:$0x0] =	wrdreg $0x60  }
0xb4: {  	[dreg:$0x2] =	wrdreg s16  }
0xb5: {  	[dreg:$0x3] =	wrdreg s17  }
0xb6: {  	[dreg:$0x4] =	wrdreg s24  }
0xb7: {  	[dreg:$0x5] =	wrdreg $0x9  }
0xb8: {  	_ =	task.clear_ibuf [dreg:s8], $0x6FFFF;
	_ =	strace $0x90000046  }
0xb9: {  	s29 =	simm.s32 $0x9;
	_ =	strace $0x8000004D  }
0xba: {  	_ =	swait.ge [sflag:s29], $0x1  }
0xbb: {  	[sflag:s29] =	ssyncadd.s32 $0xFFFFFFFF  }
0xbc: {  	_ =	strace $0x9000004D  }
0xbd: {  	_ =	sfence  }
0xbe: {  	s30 =	sld [smem:$0x0];
	_ =	sdelay $0x2  }
0xbf: {  	s31 =	sshll.u32 s1, $0xD;
	s1 =	sshrl.u32 s1, $0x2  }
0xc0: {  	s3 =	sand.u32 $0x4000, s31;
	s1 =	sadd.s32 s1, s30  }
0xc1: {  	s0 =	sor.u32 s3, s0;
	s1 =	sshll.u32 s1, $0x11  }
0xc2: {  	s0 =	sor.u32 s1, s0  }
0xc3: {  	s0 =	sadd.s32 $0x8F2B, s0  }
0xc4: {  	[sflag:s0] =	ssyncadd.remote.s32 $0x1  }
0xc5: {  	_ =	sfence.sel $0xFFFF  }
0xc6: {  	[dreg:$0x0] =	wrdreg $0xFFFFFFFF;
	(pc) =	sbr.abs _section_cstart, $3  }
0xc7: {  	[dreg:$0x1] =	wrdreg $0xFFFFFFFF  }
0xc8: {  	_ =	task.clear_ibuf [dreg:s8], $0x2FFFF;
	_ =	strace $0x9FFFFFFF  }
0xc9: {  	(tm) =	ssettm $0x7FFFFFFF  }
tec
execute0_lowered:
.L_overlay_start_1:
0x0: {  	(tag) =	ssettag $0x1  }
0x1: {  	s2 =	rddreg [dreg:$0x0]  }
0x2: {  	s4 =	rddreg [dreg:$0x1];
	s3 =	srdreg.scid  }
0x3: {  	s9 =	rddreg [dreg:$0x2];
	s1 =	stileid.u32;
	s10 =	sand.u32 $0x1, s3  }
0x4: {  	s3 =	simm.s32 $0x0;
	s6 =	sshll.u32 s1, $0x7;
	s5 =	sshll.u32 s10, $0xB  }
0x5: {  	[smem:$0x7FF] =	sst s3;
	s11 =	sor.u32 s6, s5  }
0x6: {  	s0 =	rddreg [dreg:$0x3];
	_ =	strace $0x80000047;
	s5 =	sshrl.u32 s11, $0x3  }
0x7: {  	_ =	strace $0x80000048;
	s4 =	sadd.s32 s4, s5  }
0x8: {  	[tilespmem:s3], [sflag:$0x1] =	stream.linear.gather [hbm4b:s4+s3], $0x80, $0x200038;
	[tilespmem:$0x8100] =	vst v63  }
0x9: {  	_ =	strace $0x90000048  }
0xa: {  	s5 =	simm.s32 $0x1;
	_ =	strace $0x80000049  }
0xb: {  	_ =	swait.ge [sflag:s5], $0x80  }
0xc: {  	[sflag:s5] =	ssyncset.done $0x0  }
0xd: {  	[sflag:s5] =	ssyncadd.s32 $0xFFFFFF80  }
0xe: {  	s7 =	simm.s32 $0x100;
	_ =	strace $0x90000049  }
0xf: {  	s8 =	simm.s32 $0x5;
	s6 =	simm.s32 $0x80;
	_ =	strace $0x8000004A  }
0x10: {  	[tilespmem:s7], [sflag:$0x5] =	stream.indirect.gather [hbm4b:s2+s6], $0x80, s3, s6, $0x2000b8;
	[tilespmem:$0x8100] =	vst v63  }
0x11: {  	s10 =	ssub.s32 $0x2, s10;
	_ =	swait.ge [sflag:s8], $0x4000  }
0x12: {  	s31 =	sshrl.u32 s10, $0x1;
	s11 =	sshll.u32 s11, $0x4;
	[sflag:s8] =	ssyncset.done $0x0  }
0x13: {  	s9 =	sadd.s32 s11, s9;
	s11 =	ssub.s32 s10, s31;
	[sflag:s8] =	ssyncadd.s32 $0xFFFFC000  }
0x14: {  	s11 =	smax.u32 s11, $0x1;
	_ =	strace $0x9000004A  }
0x15: {  	s9 =	sadd.s32 $0xA00, s9;
	p0 =	sne.s32 s11, $0x1;
	_ =	strace $0x8000004B  }
0x16: {  	[hbm4b:s9+s3] =	stream.linear.scatter [tilespmem:s7], [sflag:$0x3], $0x4000, $0x200038;
	[tilespmem:$0x8100] =	vst v63  }
.Ltmp0:
0x17: {  	_ =	strace $0x9000004B;
	(pc) =	sbr.rel @!p0 .LBB2_2-.Ltmp0, $4  }
0x18: {  	s10 =	simm.s32 $0x3;
	_ =	strace $0x8000004C  }
0x19: {  	_ =	swait.ge [sflag:s10], $0x4000  }
0x1a: {  	[sflag:s10] =	ssyncset.done $0x0  }
0x1b: {  	s11 =	sadd.s32 $0xFFFFFFFF, s11;
	[sflag:s10] =	ssyncadd.s32 $0xFFFFC000  }
.LBB2_1:
0x1c: {  	p0 =	sne.s32 s11, $0x1;
	s11 =	sadd.s32 $0xFFFFFFFF, s11;
	_ =	strace $0x9000004C  }
0x1d: {  	_ =	strace $0x80000048  }
0x1e: {  	[tilespmem:s3], [sflag:$0x1] =	stream.linear.gather [hbm4b:s4+s3], $0x80, $0x200038;
	[tilespmem:$0x8100] =	vst v63  }
0x1f: {  	_ =	strace $0x90000048  }
0x20: {  	_ =	strace $0x80000049  }
0x21: {  	_ =	swait.ge [sflag:s5], $0x80  }
0x22: {  	[sflag:s5] =	ssyncset.done $0x0  }
0x23: {  	[sflag:s5] =	ssyncadd.s32 $0xFFFFFF80  }
0x24: {  	_ =	strace $0x90000049  }
0x25: {  	_ =	strace $0x8000004A  }
0x26: {  	[tilespmem:s7], [sflag:$0x5] =	stream.indirect.gather [hbm4b:s2+s6], $0x80, s3, s6, $0x2000b8;
	[tilespmem:$0x8100] =	vst v63  }
0x27: {  	_ =	swait.ge [sflag:s8], $0x4000  }
0x28: {  	[sflag:s8] =	ssyncset.done $0x0  }
0x29: {  	[sflag:s8] =	ssyncadd.s32 $0xFFFFC000  }
0x2a: {  	_ =	strace $0x9000004A  }
0x2b: {  	_ =	strace $0x8000004B  }
0x2c: {  	[hbm4b:s9+s3] =	stream.linear.scatter [tilespmem:s7], [sflag:$0x3], $0x4000, $0x200038;
	[tilespmem:$0x8100] =	vst v63  }
.Ltmp1:
0x2d: {  	_ =	strace $0x9000004B;
	(pc) =	sbr.rel @p0 .LBB2_1-.Ltmp1, $4  }
0x2e: {  	_ =	strace $0x8000004C  }
0x2f: {  	_ =	swait.ge [sflag:s10], $0x4000  }
0x30: {  	[sflag:s10] =	ssyncset.done $0x0  }
0x31: {  	[sflag:s10] =	ssyncadd.s32 $0xFFFFC000  }
.LBB2_2:
0x32: {  	_ =	strace $0x9000004C  }
0x33: {  	_ =	sfence.sel $0x180000  }
0x34: {  	[bflag:$0x0] =	sbarrier.arrive $0xFFFF  }
0x35: {  	p0 =	sne.s32 s1, $0x0;
	_ =	strace $0x90000047  }
0x36: {  	s0 =	sadd.s32 @!p0 $0x100000, s0;
	[bflag:$0x2] =	sbarrier.arrive $0xFFFF  }
0x37: {  	[sflag:s0] =	ssyncadd.tile.s32 @!p0 $0x1;
	_ =	shalt  }
.Lfunc_end2:
_tile_overlayer_lowered:
.L_overlay_start_2:
0x38: {  	(tag) =	ssettag $0x2  }
0x39: {  	s0 =	rddreg [dreg:$0x0];
	s2 =	stileid.u32  }
0x3a: {  	s1 =	rddreg [dreg:$0x1];
	p0 =	sne.s32 s2, $0x0  }
0x3b: {  	s3 =	rddreg [dreg:$0x2];
	[bflag:$0x3] =	sbarrier.arrive $0xFFFF;
	s2 =	simm.s32 @!p0 $0x1C01  }
0x3c: {  	[timem:s3], [sflag:s2] =	dma.local @!p0 [hbm:s0], s1  }
0x3d: {  	s0 =	simm.s32 @!p0 $0x1  }
0x3e: {  	_ =	swait.ge @!p0 [sflag:s0], s1  }
0x3f: {  	s1 =	ssub.s32 @!p0 $0x0, s1;
	[sflag:s0] =	ssyncset.done @!p0 $0x0  }
0x40: {  	[sflag:s0] =	ssyncadd.s32 @!p0 s1  }
0x41: {  	[bflag:$0x3] =	sbarrier.arrive $0xFFFF  }
0x42: {  	_ =	shalt  }

</sc_bundles>
